<compile_context>
chip_gen: v7x
topology: tpu7x:2x2x1
jax: 0.10.2.dev20260603
libtpu: 0.0.44.dev20260713+nightly
codegen_flags: <defaults>
</compile_context>

<pallas_src>
import functools

import jax
import jax.numpy as jnp
from jax import lax
from jax.experimental import pallas as pl
from jax.experimental.pallas import tpu as pltpu
from jax.experimental.pallas import tpu_sc as plsc

EMBED_D = 128
CHUNK = 128
NBUF = 5
AHEAD = 2
NUM_CORES = 2
NUM_SUBCORES = 16
NW = NUM_CORES * NUM_SUBCORES


def _make_gather(seq: int, n_batch: int):
  n_rows = seq * n_batch
  n_chunks = seq
  mesh = plsc.VectorSubcoreMesh(core_axis_name="c", subcore_axis_name="s")

  @functools.partial(
      pl.kernel,
      out_type=jax.ShapeDtypeStruct((n_rows, EMBED_D), jnp.float32),
      mesh=mesh,
      scratch_types=[
          pltpu.VMEM((n_chunks, CHUNK), jnp.int32),
          pltpu.VMEM((NBUF, CHUNK, EMBED_D), jnp.float32),
      ]
      + [pltpu.SemaphoreType.DMA] * (2 * NBUF),
  )
  def gather_kernel(table_hbm, idx_hbm, out_hbm, idx_v, rows_v, *sems):
    g_sems = sems[:NBUF]
    o_sems = sems[NBUF:]
    wid = lax.axis_index("s") * NUM_CORES + lax.axis_index("c")
    col_base = wid * CHUNK
    pltpu.sync_copy(idx_hbm.at[:, pl.ds(col_base, CHUNK)], idx_v)

    def start_gather(j, b):
      pltpu.async_copy(table_hbm.at[idx_v.at[j]], rows_v.at[b], g_sems[b])

    def wait_gather(b):
      pltpu.make_async_copy(
          table_hbm.at[idx_v.at[0]], rows_v.at[b], g_sems[b]).wait()

    def start_out(j, b):
      pltpu.async_copy(rows_v.at[b],
                       out_hbm.at[pl.ds(j * n_batch + col_base, CHUNK)],
                       o_sems[b])

    def wait_out(b):
      pltpu.make_async_copy(
          rows_v.at[b], out_hbm.at[pl.ds(col_base, CHUNK)], o_sems[b]).wait()

    for j in range(AHEAD):
      start_gather(j, j)

    def superstep(g, carry):
      for k in range(NBUF):
        j = g * NBUF + k
        b = k
        wait_gather(b)
        start_out(j, b)
        nxt = j + AHEAD
        bn = (k + AHEAD) % NBUF

        @pl.when(jnp.logical_and(nxt < n_chunks, nxt >= NBUF))
        def _():
          wait_out(bn)

        @pl.when(nxt < n_chunks)
        def _():
          start_gather(nxt, bn)

      return carry

    lax.fori_loop(0, n_chunks // NBUF, superstep, None)

    for b in range(NBUF):
      wait_out(b)

  return gather_kernel


def kernel(codes, code_embed_weight):
  bsz, seq = codes.shape
  d = code_embed_weight.shape[1]
  codes_t = codes.T.astype(jnp.int32)
  out = _make_gather(seq, bsz)(code_embed_weight, codes_t)
  return out.reshape(seq, bsz, d).transpose(1, 0, 2)

# --- scband reference (transcript-rebuilt; emitter-appended) ---
"""Pipeline reference for scband-embedding-40209483825553 (READ-ONLY COPY).

The authoritative reference and input builder live on the scoring server;
editing this copy changes nothing except your own understanding.
"""

import jax, jax.numpy as jnp
import numpy as np

VOCAB_DIM = 1000000
EMBED_DIM = 128

def setup_inputs(seed: int = 0) -> dict:
    key = jax.random.key(seed)
    k1, k2 = jax.random.split(key)
    codes = jax.random.randint(k1, (4096, 50), 0, VOCAB_DIM, dtype=jnp.int64)
    # nn.Embedding(vocab_dim + 1, embedding_dim) weight, default N(0,1) init
    code_embed_weight = jax.random.normal(k2, (VOCAB_DIM + 1, EMBED_DIM), dtype=jnp.float32)
    return {"codes": codes, "code_embed_weight": code_embed_weight}

def reference(codes, code_embed_weight):
    # Embedding.forward: self.code_embed(codes)
    return jnp.take(code_embed_weight, codes, axis=0)

if __name__ == "__main__":
    import jax
    _d = setup_inputs()
    print(jax.jit(kernel)(*tuple(_d.values())))

</pallas_src>

<mosaic_0001>
#map = affine_map<(d0, d1) -> (0, 0)>
module attributes {stable_mosaic.version = 14 : i64} {
  func.func @gather_kernel(%arg0: i32, %arg1: i32, %arg2: memref<1000001x128xf32, #tpu.memory_space<hbm>>, %arg3: memref<50x4096xi32, #tpu.memory_space<hbm>>, %arg4: memref<204800x128xf32, #tpu.memory_space<hbm>>, %arg5: memref<50x128xi32, #tpu.memory_space<vmem>>, %arg6: memref<5x128x128xf32, #tpu.memory_space<vmem>>, %arg7: memref<!tpu.dma_semaphore, #tpu.memory_space<semaphore_mem>>, %arg8: memref<!tpu.dma_semaphore, #tpu.memory_space<semaphore_mem>>, %arg9: memref<!tpu.dma_semaphore, #tpu.memory_space<semaphore_mem>>, %arg10: memref<!tpu.dma_semaphore, #tpu.memory_space<semaphore_mem>>, %arg11: memref<!tpu.dma_semaphore, #tpu.memory_space<semaphore_mem>>, %arg12: memref<!tpu.dma_semaphore, #tpu.memory_space<semaphore_mem>>, %arg13: memref<!tpu.dma_semaphore, #tpu.memory_space<semaphore_mem>>, %arg14: memref<!tpu.dma_semaphore, #tpu.memory_space<semaphore_mem>>, %arg15: memref<!tpu.dma_semaphore, #tpu.memory_space<semaphore_mem>>, %arg16: memref<!tpu.dma_semaphore, #tpu.memory_space<semaphore_mem>>) attributes {dimension_semantics = [#tpu.dimension_semantics<core_parallel>, #tpu.dimension_semantics<subcore_parallel>], iteration_bounds = array<i64: 2, 16>, scalar_prefetch = 0 : i64, scratch_operands = 12 : i64, tpu.core_type = #tpu.core_type<sc_vector_subcore>, window_params = [{transform_indices = #map}, {transform_indices = #map}, {transform_indices = #map}]} {
    %mul3A = arith.constant 2 : i32
    %mul3A_0 = arith.muli %arg1, %mul3A : i32
    %add3A = arith.addi %mul3A_0, %arg0 : i32
    %mul3A_1 = arith.constant 128 : i32
    %mul3A_2 = arith.muli %add3A, %mul3A_1 : i32
    "tpu.region"() ({
      %run_scoped3A = tpu.sem_alloc : memref<!tpu.dma_semaphore, #tpu.memory_space<semaphore_mem>>
      %dma_start3A_94 = arith.constant 0 : i32
      %dma_start3A_95 = tpu.memref_slice %arg3[%dma_start3A_94, %mul3A_2] : memref<50x4096xi32, #tpu.memory_space<hbm>> -> memref<50x128xi32, #tpu.memory_space<hbm>>
      %dma_start3A_96 = arith.constant 0 : i32
      %dma_start3A_97 = tpu.memref_slice %arg3[%dma_start3A_96, %mul3A_2] : memref<50x4096xi32, #tpu.memory_space<hbm>> -> memref<50x128xi32, #tpu.memory_space<hbm>>
      tpu.enqueue_dma source(%dma_start3A_97 : memref<50x128xi32, #tpu.memory_space<hbm>>) target(%arg5 : memref<50x128xi32, #tpu.memory_space<vmem>>) target_semaphore(%run_scoped3A : memref<!tpu.dma_semaphore, #tpu.memory_space<semaphore_mem>>)
      %dma_wait3A_98 = arith.constant 0 : i32
      %dma_wait3A_99 = tpu.memref_slice %arg3[%dma_wait3A_98, %mul3A_2] : memref<50x4096xi32, #tpu.memory_space<hbm>> -> memref<50x128xi32, #tpu.memory_space<hbm>>
      %dma_wait3A_100 = arith.constant 0 : i32
      %dma_wait3A_101 = tpu.memref_slice %arg3[%dma_wait3A_100, %mul3A_2] : memref<50x4096xi32, #tpu.memory_space<hbm>> -> memref<50x128xi32, #tpu.memory_space<hbm>>
      tpu.wait_dma2 semaphore(%run_scoped3A : memref<!tpu.dma_semaphore, #tpu.memory_space<semaphore_mem>>) src(%dma_wait3A_101 : memref<50x128xi32, #tpu.memory_space<hbm>>) dst(%arg5 : memref<50x128xi32, #tpu.memory_space<vmem>>)
      tpu.yield
    }) : () -> ()
    %dma_start3A = arith.constant 0 : i32
    %dma_start3A_3 = arith.constant 0 : i32
    %dma_start3A_4 = arith.constant 0 : i32
    %dma_start3A_5 = arith.constant 0 : i32
    %dma_start3A_6 = tpu.memref_slice %arg6[%dma_start3A_3, %dma_start3A_4, %dma_start3A_5] : memref<5x128x128xf32, #tpu.memory_space<vmem>> -> memref<1x128x128xf32, #tpu.memory_space<vmem>>
    %dma_start3A_7 = tpu.memref_squeeze %dma_start3A_6 : memref<1x128x128xf32, #tpu.memory_space<vmem>> -> memref<128x128xf32, #tpu.memory_space<vmem>>
    %dma_start3A_8 = arith.constant 0 : i32
    %dma_start3A_9 = tpu.memref_slice %arg5[%dma_start3A, %dma_start3A_8] : memref<50x128xi32, #tpu.memory_space<vmem>> -> memref<1x128xi32, #tpu.memory_space<vmem>>
    %dma_start3A_10 = tpu.memref_squeeze %dma_start3A_9 : memref<1x128xi32, #tpu.memory_space<vmem>> -> memref<128xi32, #tpu.memory_space<vmem>>
    %dma_start3A_11 = arith.constant 0 : i32
    %dma_start3A_12 = arith.constant 0 : i32
    %dma_start3A_13 = tpu.memref_slice %arg2[%dma_start3A_11, %dma_start3A_12] : memref<1000001x128xf32, #tpu.memory_space<hbm>> -> memref<1000001x128xf32, #tpu.memory_space<hbm>>
    tpu.enqueue_indirect_dma source(%dma_start3A_13 : memref<1000001x128xf32, #tpu.memory_space<hbm>>) target(%dma_start3A_7 : memref<128x128xf32, #tpu.memory_space<vmem>>) offsets(%dma_start3A_10 : memref<128xi32, #tpu.memory_space<vmem>>) semaphore(%arg7 : memref<!tpu.dma_semaphore, #tpu.memory_space<semaphore_mem>>)
    %dma_start3A_14 = arith.constant 1 : i32
    %dma_start3A_15 = arith.constant 1 : i32
    %dma_start3A_16 = arith.constant 0 : i32
    %dma_start3A_17 = arith.constant 0 : i32
    %dma_start3A_18 = tpu.memref_slice %arg6[%dma_start3A_15, %dma_start3A_16, %dma_start3A_17] : memref<5x128x128xf32, #tpu.memory_space<vmem>> -> memref<1x128x128xf32, #tpu.memory_space<vmem>>
    %dma_start3A_19 = tpu.memref_squeeze %dma_start3A_18 : memref<1x128x128xf32, #tpu.memory_space<vmem>> -> memref<128x128xf32, #tpu.memory_space<vmem>>
    %dma_start3A_20 = arith.constant 0 : i32
    %dma_start3A_21 = tpu.memref_slice %arg5[%dma_start3A_14, %dma_start3A_20] : memref<50x128xi32, #tpu.memory_space<vmem>> -> memref<1x128xi32, #tpu.memory_space<vmem>>
    %dma_start3A_22 = tpu.memref_squeeze %dma_start3A_21 : memref<1x128xi32, #tpu.memory_space<vmem>> -> memref<128xi32, #tpu.memory_space<vmem>>
    %dma_start3A_23 = arith.constant 0 : i32
    %dma_start3A_24 = arith.constant 0 : i32
    %dma_start3A_25 = tpu.memref_slice %arg2[%dma_start3A_23, %dma_start3A_24] : memref<1000001x128xf32, #tpu.memory_space<hbm>> -> memref<1000001x128xf32, #tpu.memory_space<hbm>>
    tpu.enqueue_indirect_dma source(%dma_start3A_25 : memref<1000001x128xf32, #tpu.memory_space<hbm>>) target(%dma_start3A_19 : memref<128x128xf32, #tpu.memory_space<vmem>>) offsets(%dma_start3A_22 : memref<128xi32, #tpu.memory_space<vmem>>) semaphore(%arg8 : memref<!tpu.dma_semaphore, #tpu.memory_space<semaphore_mem>>)
    %scan3A = arith.constant 0 : i32
    %scan3A_26 = arith.constant 10 : i32
    %scan3A_27 = arith.addi %scan3A, %scan3A_26 : i32
    %scan3A_28 = arith.constant 1 : i32
    scf.for %scan3A_94 = %scan3A to %scan3A_27 step %scan3A_28  : i32 {
      %mul3A_95 = arith.constant 5 : i32
      %mul3A_96 = arith.muli %scan3A_94, %mul3A_95 : i32
      %add3A_97 = arith.constant 0 : i32
      %add3A_98 = arith.addi %mul3A_96, %add3A_97 : i32
      %dma_wait3A_99 = arith.constant 0 : i32
      %dma_wait3A_100 = arith.constant 0 : i32
      %dma_wait3A_101 = arith.constant 0 : i32
      %dma_wait3A_102 = arith.constant 0 : i32
      %dma_wait3A_103 = tpu.memref_slice %arg6[%dma_wait3A_100, %dma_wait3A_101, %dma_wait3A_102] : memref<5x128x128xf32, #tpu.memory_space<vmem>> -> memref<1x128x128xf32, #tpu.memory_space<vmem>>
      %dma_wait3A_104 = tpu.memref_squeeze %dma_wait3A_103 : memref<1x128x128xf32, #tpu.memory_space<vmem>> -> memref<128x128xf32, #tpu.memory_space<vmem>>
      %dma_wait3A_105 = arith.constant 0 : i32
      %dma_wait3A_106 = tpu.memref_slice %arg5[%dma_wait3A_99, %dma_wait3A_105] : memref<50x128xi32, #tpu.memory_space<vmem>> -> memref<1x128xi32, #tpu.memory_space<vmem>>
      %dma_wait3A_107 = tpu.memref_squeeze %dma_wait3A_106 : memref<1x128xi32, #tpu.memory_space<vmem>> -> memref<128xi32, #tpu.memory_space<vmem>>
      %dma_wait3A_108 = arith.constant 0 : i32
      %dma_wait3A_109 = arith.constant 0 : i32
      %dma_wait3A_110 = tpu.memref_slice %arg2[%dma_wait3A_108, %dma_wait3A_109] : memref<1000001x128xf32, #tpu.memory_space<hbm>> -> memref<1000001x128xf32, #tpu.memory_space<hbm>>
      tpu.wait_indirect_dma semaphore(%arg7 : memref<!tpu.dma_semaphore, #tpu.memory_space<semaphore_mem>>) src(%dma_wait3A_110 : memref<1000001x128xf32, #tpu.memory_space<hbm>>) dst(%dma_wait3A_104 : memref<128x128xf32, #tpu.memory_space<vmem>>)
      %mul3A_111 = arith.constant 4096 : i32
      %mul3A_112 = arith.muli %add3A_98, %mul3A_111 : i32
      %add3A_113 = arith.addi %mul3A_112, %mul3A_2 : i32
      %dma_start3A_114 = arith.constant 0 : i32
      %dma_start3A_115 = arith.constant 0 : i32
      %dma_start3A_116 = arith.constant 0 : i32
      %dma_start3A_117 = tpu.memref_slice %arg6[%dma_start3A_114, %dma_start3A_115, %dma_start3A_116] : memref<5x128x128xf32, #tpu.memory_space<vmem>> -> memref<1x128x128xf32, #tpu.memory_space<vmem>>
      %dma_start3A_118 = tpu.memref_squeeze %dma_start3A_117 : memref<1x128x128xf32, #tpu.memory_space<vmem>> -> memref<128x128xf32, #tpu.memory_space<vmem>>
      %dma_start3A_119 = arith.constant 0 : i32
      %dma_start3A_120 = tpu.memref_slice %arg4[%add3A_113, %dma_start3A_119] : memref<204800x128xf32, #tpu.memory_space<hbm>> -> memref<128x128xf32, #tpu.memory_space<hbm>>
      %dma_start3A_121 = arith.constant 0 : i32
      %dma_start3A_122 = tpu.memref_slice %arg4[%add3A_113, %dma_start3A_121] : memref<204800x128xf32, #tpu.memory_space<hbm>> -> memref<128x128xf32, #tpu.memory_space<hbm>>
      %dma_start3A_123 = arith.constant 0 : i32
      %dma_start3A_124 = arith.constant 0 : i32
      %dma_start3A_125 = tpu.memref_slice %arg6[%dma_start3A_114, %dma_start3A_123, %dma_start3A_124] : memref<5x128x128xf32, #tpu.memory_space<vmem>> -> memref<1x128x128xf32, #tpu.memory_space<vmem>>
      %dma_start3A_126 = tpu.memref_squeeze %dma_start3A_125 : memref<1x128x128xf32, #tpu.memory_space<vmem>> -> memref<128x128xf32, #tpu.memory_space<vmem>>
      tpu.enqueue_dma source(%dma_start3A_126 : memref<128x128xf32, #tpu.memory_space<vmem>>) target(%dma_start3A_122 : memref<128x128xf32, #tpu.memory_space<hbm>>) target_semaphore(%arg12 : memref<!tpu.dma_semaphore, #tpu.memory_space<semaphore_mem>>)
      %add3A_127 = arith.constant 2 : i32
      %add3A_128 = arith.addi %add3A_98, %add3A_127 : i32
      %lt3A = arith.constant 50 : i32
      %lt3A_129 = arith.cmpi slt, %add3A_128, %lt3A : i32
      %ge3A = arith.constant 5 : i32
      %ge3A_130 = arith.cmpi sge, %add3A_128, %ge3A : i32
      %and3A = arith.andi %lt3A_129, %ge3A_130 : i1
      %convert_element_type3A = arith.extui %and3A : i1 to i32
      %cond3A = arith.constant 0 : i32
      %cond3A_131 = arith.cmpi ne, %convert_element_type3A, %cond3A : i32
      scf.if %cond3A_131 {
        %dma_wait3A_325 = arith.constant 2 : i32
        %dma_wait3A_326 = arith.constant 0 : i32
        %dma_wait3A_327 = arith.constant 0 : i32
        %dma_wait3A_328 = tpu.memref_slice %arg6[%dma_wait3A_325, %dma_wait3A_326, %dma_wait3A_327] : memref<5x128x128xf32, #tpu.memory_space<vmem>> -> memref<1x128x128xf32, #tpu.memory_space<vmem>>
        %dma_wait3A_329 = tpu.memref_squeeze %dma_wait3A_328 : memref<1x128x128xf32, #tpu.memory_space<vmem>> -> memref<128x128xf32, #tpu.memory_space<vmem>>
        %dma_wait3A_330 = arith.constant 0 : i32
        %dma_wait3A_331 = tpu.memref_slice %arg4[%mul3A_2, %dma_wait3A_330] : memref<204800x128xf32, #tpu.memory_space<hbm>> -> memref<128x128xf32, #tpu.memory_space<hbm>>
        %dma_wait3A_332 = arith.constant 0 : i32
        %dma_wait3A_333 = tpu.memref_slice %arg4[%mul3A_2, %dma_wait3A_332] : memref<204800x128xf32, #tpu.memory_space<hbm>> -> memref<128x128xf32, #tpu.memory_space<hbm>>
        %dma_wait3A_334 = arith.constant 0 : i32
        %dma_wait3A_335 = arith.constant 0 : i32
        %dma_wait3A_336 = tpu.memref_slice %arg6[%dma_wait3A_325, %dma_wait3A_334, %dma_wait3A_335] : memref<5x128x128xf32, #tpu.memory_space<vmem>> -> memref<1x128x128xf32, #tpu.memory_space<vmem>>
        %dma_wait3A_337 = tpu.memref_squeeze %dma_wait3A_336 : memref<1x128x128xf32, #tpu.memory_space<vmem>> -> memref<128x128xf32, #tpu.memory_space<vmem>>
        tpu.wait_dma2 semaphore(%arg14 : memref<!tpu.dma_semaphore, #tpu.memory_space<semaphore_mem>>) src(%dma_wait3A_337 : memref<128x128xf32, #tpu.memory_space<vmem>>) dst(%dma_wait3A_333 : memref<128x128xf32, #tpu.memory_space<hbm>>)
      } else {
      }
      %lt3A_132 = arith.constant 50 : i32
      %lt3A_133 = arith.cmpi slt, %add3A_128, %lt3A_132 : i32
      %convert_element_type3A_134 = arith.extui %lt3A_133 : i1 to i32
      %cond3A_135 = arith.constant 0 : i32
      %cond3A_136 = arith.cmpi ne, %convert_element_type3A_134, %cond3A_135 : i32
      scf.if %cond3A_136 {
        %dma_start3A_325 = arith.constant 2 : i32
        %dma_start3A_326 = arith.constant 0 : i32
        %dma_start3A_327 = arith.constant 0 : i32
        %dma_start3A_328 = tpu.memref_slice %arg6[%dma_start3A_325, %dma_start3A_326, %dma_start3A_327] : memref<5x128x128xf32, #tpu.memory_space<vmem>> -> memref<1x128x128xf32, #tpu.memory_space<vmem>>
        %dma_start3A_329 = tpu.memref_squeeze %dma_start3A_328 : memref<1x128x128xf32, #tpu.memory_space<vmem>> -> memref<128x128xf32, #tpu.memory_space<vmem>>
        %dma_start3A_330 = arith.constant 0 : i32
        %dma_start3A_331 = tpu.memref_slice %arg5[%add3A_128, %dma_start3A_330] : memref<50x128xi32, #tpu.memory_space<vmem>> -> memref<1x128xi32, #tpu.memory_space<vmem>>
        %dma_start3A_332 = tpu.memref_squeeze %dma_start3A_331 : memref<1x128xi32, #tpu.memory_space<vmem>> -> memref<128xi32, #tpu.memory_space<vmem>>
        %dma_start3A_333 = arith.constant 0 : i32
        %dma_start3A_334 = arith.constant 0 : i32
        %dma_start3A_335 = tpu.memref_slice %arg2[%dma_start3A_333, %dma_start3A_334] : memref<1000001x128xf32, #tpu.memory_space<hbm>> -> memref<1000001x128xf32, #tpu.memory_space<hbm>>
        tpu.enqueue_indirect_dma source(%dma_start3A_335 : memref<1000001x128xf32, #tpu.memory_space<hbm>>) target(%dma_start3A_329 : memref<128x128xf32, #tpu.memory_space<vmem>>) offsets(%dma_start3A_332 : memref<128xi32, #tpu.memory_space<vmem>>) semaphore(%arg9 : memref<!tpu.dma_semaphore, #tpu.memory_space<semaphore_mem>>)
      } else {
      }
      %mul3A_137 = arith.constant 5 : i32
      %mul3A_138 = arith.muli %scan3A_94, %mul3A_137 : i32
      %add3A_139 = arith.constant 1 : i32
      %add3A_140 = arith.addi %mul3A_138, %add3A_139 : i32
      %dma_wait3A_141 = arith.constant 0 : i32
      %dma_wait3A_142 = arith.constant 1 : i32
      %dma_wait3A_143 = arith.constant 0 : i32
      %dma_wait3A_144 = arith.constant 0 : i32
      %dma_wait3A_145 = tpu.memref_slice %arg6[%dma_wait3A_142, %dma_wait3A_143, %dma_wait3A_144] : memref<5x128x128xf32, #tpu.memory_space<vmem>> -> memref<1x128x128xf32, #tpu.memory_space<vmem>>
      %dma_wait3A_146 = tpu.memref_squeeze %dma_wait3A_145 : memref<1x128x128xf32, #tpu.memory_space<vmem>> -> memref<128x128xf32, #tpu.memory_space<vmem>>
      %dma_wait3A_147 = arith.constant 0 : i32
      %dma_wait3A_148 = tpu.memref_slice %arg5[%dma_wait3A_141, %dma_wait3A_147] : memref<50x128xi32, #tpu.memory_space<vmem>> -> memref<1x128xi32, #tpu.memory_space<vmem>>
      %dma_wait3A_149 = tpu.memref_squeeze %dma_wait3A_148 : memref<1x128xi32, #tpu.memory_space<vmem>> -> memref<128xi32, #tpu.memory_space<vmem>>
      %dma_wait3A_150 = arith.constant 0 : i32
      %dma_wait3A_151 = arith.constant 0 : i32
      %dma_wait3A_152 = tpu.memref_slice %arg2[%dma_wait3A_150, %dma_wait3A_151] : memref<1000001x128xf32, #tpu.memory_space<hbm>> -> memref<1000001x128xf32, #tpu.memory_space<hbm>>
      tpu.wait_indirect_dma semaphore(%arg8 : memref<!tpu.dma_semaphore, #tpu.memory_space<semaphore_mem>>) src(%dma_wait3A_152 : memref<1000001x128xf32, #tpu.memory_space<hbm>>) dst(%dma_wait3A_146 : memref<128x128xf32, #tpu.memory_space<vmem>>)
      %mul3A_153 = arith.constant 4096 : i32
      %mul3A_154 = arith.muli %add3A_140, %mul3A_153 : i32
      %add3A_155 = arith.addi %mul3A_154, %mul3A_2 : i32
      %dma_start3A_156 = arith.constant 1 : i32
      %dma_start3A_157 = arith.constant 0 : i32
      %dma_start3A_158 = arith.constant 0 : i32
      %dma_start3A_159 = tpu.memref_slice %arg6[%dma_start3A_156, %dma_start3A_157, %dma_start3A_158] : memref<5x128x128xf32, #tpu.memory_space<vmem>> -> memref<1x128x128xf32, #tpu.memory_space<vmem>>
      %dma_start3A_160 = tpu.memref_squeeze %dma_start3A_159 : memref<1x128x128xf32, #tpu.memory_space<vmem>> -> memref<128x128xf32, #tpu.memory_space<vmem>>
      %dma_start3A_161 = arith.constant 0 : i32
      %dma_start3A_162 = tpu.memref_slice %arg4[%add3A_155, %dma_start3A_161] : memref<204800x128xf32, #tpu.memory_space<hbm>> -> memref<128x128xf32, #tpu.memory_space<hbm>>
      %dma_start3A_163 = arith.constant 0 : i32
      %dma_start3A_164 = tpu.memref_slice %arg4[%add3A_155, %dma_start3A_163] : memref<204800x128xf32, #tpu.memory_space<hbm>> -> memref<128x128xf32, #tpu.memory_space<hbm>>
      %dma_start3A_165 = arith.constant 0 : i32
      %dma_start3A_166 = arith.constant 0 : i32
      %dma_start3A_167 = tpu.memref_slice %arg6[%dma_start3A_156, %dma_start3A_165, %dma_start3A_166] : memref<5x128x128xf32, #tpu.memory_space<vmem>> -> memref<1x128x128xf32, #tpu.memory_space<vmem>>
      %dma_start3A_168 = tpu.memref_squeeze %dma_start3A_167 : memref<1x128x128xf32, #tpu.memory_space<vmem>> -> memref<128x128xf32, #tpu.memory_space<vmem>>
      tpu.enqueue_dma source(%dma_start3A_168 : memref<128x128xf32, #tpu.memory_space<vmem>>) target(%dma_start3A_164 : memref<128x128xf32, #tpu.memory_space<hbm>>) target_semaphore(%arg13 : memref<!tpu.dma_semaphore, #tpu.memory_space<semaphore_mem>>)
      %add3A_169 = arith.constant 2 : i32
      %add3A_170 = arith.addi %add3A_140, %add3A_169 : i32
      %lt3A_171 = arith.constant 50 : i32
      %lt3A_172 = arith.cmpi slt, %add3A_170, %lt3A_171 : i32
      %ge3A_173 = arith.constant 5 : i32
      %ge3A_174 = arith.cmpi sge, %add3A_170, %ge3A_173 : i32
      %and3A_175 = arith.andi %lt3A_172, %ge3A_174 : i1
      %convert_element_type3A_176 = arith.extui %and3A_175 : i1 to i32
      %cond3A_177 = arith.constant 0 : i32
      %cond3A_178 = arith.cmpi ne, %convert_element_type3A_176, %cond3A_177 : i32
      scf.if %cond3A_178 {
        %dma_wait3A_325 = arith.constant 3 : i32
        %dma_wait3A_326 = arith.constant 0 : i32
        %dma_wait3A_327 = arith.constant 0 : i32
        %dma_wait3A_328 = tpu.memref_slice %arg6[%dma_wait3A_325, %dma_wait3A_326, %dma_wait3A_327] : memref<5x128x128xf32, #tpu.memory_space<vmem>> -> memref<1x128x128xf32, #tpu.memory_space<vmem>>
        %dma_wait3A_329 = tpu.memref_squeeze %dma_wait3A_328 : memref<1x128x128xf32, #tpu.memory_space<vmem>> -> memref<128x128xf32, #tpu.memory_space<vmem>>
        %dma_wait3A_330 = arith.constant 0 : i32
        %dma_wait3A_331 = tpu.memref_slice %arg4[%mul3A_2, %dma_wait3A_330] : memref<204800x128xf32, #tpu.memory_space<hbm>> -> memref<128x128xf32, #tpu.memory_space<hbm>>
        %dma_wait3A_332 = arith.constant 0 : i32
        %dma_wait3A_333 = tpu.memref_slice %arg4[%mul3A_2, %dma_wait3A_332] : memref<204800x128xf32, #tpu.memory_space<hbm>> -> memref<128x128xf32, #tpu.memory_space<hbm>>
        %dma_wait3A_334 = arith.constant 0 : i32
        %dma_wait3A_335 = arith.constant 0 : i32
        %dma_wait3A_336 = tpu.memref_slice %arg6[%dma_wait3A_325, %dma_wait3A_334, %dma_wait3A_335] : memref<5x128x128xf32, #tpu.memory_space<vmem>> -> memref<1x128x128xf32, #tpu.memory_space<vmem>>
        %dma_wait3A_337 = tpu.memref_squeeze %dma_wait3A_336 : memref<1x128x128xf32, #tpu.memory_space<vmem>> -> memref<128x128xf32, #tpu.memory_space<vmem>>
        tpu.wait_dma2 semaphore(%arg15 : memref<!tpu.dma_semaphore, #tpu.memory_space<semaphore_mem>>) src(%dma_wait3A_337 : memref<128x128xf32, #tpu.memory_space<vmem>>) dst(%dma_wait3A_333 : memref<128x128xf32, #tpu.memory_space<hbm>>)
      } else {
      }
      %lt3A_179 = arith.constant 50 : i32
      %lt3A_180 = arith.cmpi slt, %add3A_170, %lt3A_179 : i32
      %convert_element_type3A_181 = arith.extui %lt3A_180 : i1 to i32
      %cond3A_182 = arith.constant 0 : i32
      %cond3A_183 = arith.cmpi ne, %convert_element_type3A_181, %cond3A_182 : i32
      scf.if %cond3A_183 {
        %dma_start3A_325 = arith.constant 3 : i32
        %dma_start3A_326 = arith.constant 0 : i32
        %dma_start3A_327 = arith.constant 0 : i32
        %dma_start3A_328 = tpu.memref_slice %arg6[%dma_start3A_325, %dma_start3A_326, %dma_start3A_327] : memref<5x128x128xf32, #tpu.memory_space<vmem>> -> memref<1x128x128xf32, #tpu.memory_space<vmem>>
        %dma_start3A_329 = tpu.memref_squeeze %dma_start3A_328 : memref<1x128x128xf32, #tpu.memory_space<vmem>> -> memref<128x128xf32, #tpu.memory_space<vmem>>
        %dma_start3A_330 = arith.constant 0 : i32
        %dma_start3A_331 = tpu.memref_slice %arg5[%add3A_170, %dma_start3A_330] : memref<50x128xi32, #tpu.memory_space<vmem>> -> memref<1x128xi32, #tpu.memory_space<vmem>>
        %dma_start3A_332 = tpu.memref_squeeze %dma_start3A_331 : memref<1x128xi32, #tpu.memory_space<vmem>> -> memref<128xi32, #tpu.memory_space<vmem>>
        %dma_start3A_333 = arith.constant 0 : i32
        %dma_start3A_334 = arith.constant 0 : i32
        %dma_start3A_335 = tpu.memref_slice %arg2[%dma_start3A_333, %dma_start3A_334] : memref<1000001x128xf32, #tpu.memory_space<hbm>> -> memref<1000001x128xf32, #tpu.memory_space<hbm>>
        tpu.enqueue_indirect_dma source(%dma_start3A_335 : memref<1000001x128xf32, #tpu.memory_space<hbm>>) target(%dma_start3A_329 : memref<128x128xf32, #tpu.memory_space<vmem>>) offsets(%dma_start3A_332 : memref<128xi32, #tpu.memory_space<vmem>>) semaphore(%arg10 : memref<!tpu.dma_semaphore, #tpu.memory_space<semaphore_mem>>)
      } else {
      }
      %mul3A_184 = arith.constant 5 : i32
      %mul3A_185 = arith.muli %scan3A_94, %mul3A_184 : i32
      %add3A_186 = arith.constant 2 : i32
      %add3A_187 = arith.addi %mul3A_185, %add3A_186 : i32
      %dma_wait3A_188 = arith.constant 0 : i32
      %dma_wait3A_189 = arith.constant 2 : i32
      %dma_wait3A_190 = arith.constant 0 : i32
      %dma_wait3A_191 = arith.constant 0 : i32
      %dma_wait3A_192 = tpu.memref_slice %arg6[%dma_wait3A_189, %dma_wait3A_190, %dma_wait3A_191] : memref<5x128x128xf32, #tpu.memory_space<vmem>> -> memref<1x128x128xf32, #tpu.memory_space<vmem>>
      %dma_wait3A_193 = tpu.memref_squeeze %dma_wait3A_192 : memref<1x128x128xf32, #tpu.memory_space<vmem>> -> memref<128x128xf32, #tpu.memory_space<vmem>>
      %dma_wait3A_194 = arith.constant 0 : i32
      %dma_wait3A_195 = tpu.memref_slice %arg5[%dma_wait3A_188, %dma_wait3A_194] : memref<50x128xi32, #tpu.memory_space<vmem>> -> memref<1x128xi32, #tpu.memory_space<vmem>>
      %dma_wait3A_196 = tpu.memref_squeeze %dma_wait3A_195 : memref<1x128xi32, #tpu.memory_space<vmem>> -> memref<128xi32, #tpu.memory_space<vmem>>
      %dma_wait3A_197 = arith.constant 0 : i32
      %dma_wait3A_198 = arith.constant 0 : i32
      %dma_wait3A_199 = tpu.memref_slice %arg2[%dma_wait3A_197, %dma_wait3A_198] : memref<1000001x128xf32, #tpu.memory_space<hbm>> -> memref<1000001x128xf32, #tpu.memory_space<hbm>>
      tpu.wait_indirect_dma semaphore(%arg9 : memref<!tpu.dma_semaphore, #tpu.memory_space<semaphore_mem>>) src(%dma_wait3A_199 : memref<1000001x128xf32, #tpu.memory_space<hbm>>) dst(%dma_wait3A_193 : memref<128x128xf32, #tpu.memory_space<vmem>>)
      %mul3A_200 = arith.constant 4096 : i32
      %mul3A_201 = arith.muli %add3A_187, %mul3A_200 : i32
      %add3A_202 = arith.addi %mul3A_201, %mul3A_2 : i32
      %dma_start3A_203 = arith.constant 2 : i32
      %dma_start3A_204 = arith.constant 0 : i32
      %dma_start3A_205 = arith.constant 0 : i32
      %dma_start3A_206 = tpu.memref_slice %arg6[%dma_start3A_203, %dma_start3A_204, %dma_start3A_205] : memref<5x128x128xf32, #tpu.memory_space<vmem>> -> memref<1x128x128xf32, #tpu.memory_space<vmem>>
      %dma_start3A_207 = tpu.memref_squeeze %dma_start3A_206 : memref<1x128x128xf32, #tpu.memory_space<vmem>> -> memref<128x128xf32, #tpu.memory_space<vmem>>
      %dma_start3A_208 = arith.constant 0 : i32
      %dma_start3A_209 = tpu.memref_slice %arg4[%add3A_202, %dma_start3A_208] : memref<204800x128xf32, #tpu.memory_space<hbm>> -> memref<128x128xf32, #tpu.memory_space<hbm>>
      %dma_start3A_210 = arith.constant 0 : i32
      %dma_start3A_211 = tpu.memref_slice %arg4[%add3A_202, %dma_start3A_210] : memref<204800x128xf32, #tpu.memory_space<hbm>> -> memref<128x128xf32, #tpu.memory_space<hbm>>
      %dma_start3A_212 = arith.constant 0 : i32
      %dma_start3A_213 = arith.constant 0 : i32
      %dma_start3A_214 = tpu.memref_slice %arg6[%dma_start3A_203, %dma_start3A_212, %dma_start3A_213] : memref<5x128x128xf32, #tpu.memory_space<vmem>> -> memref<1x128x128xf32, #tpu.memory_space<vmem>>
      %dma_start3A_215 = tpu.memref_squeeze %dma_start3A_214 : memref<1x128x128xf32, #tpu.memory_space<vmem>> -> memref<128x128xf32, #tpu.memory_space<vmem>>
      tpu.enqueue_dma source(%dma_start3A_215 : memref<128x128xf32, #tpu.memory_space<vmem>>) target(%dma_start3A_211 : memref<128x128xf32, #tpu.memory_space<hbm>>) target_semaphore(%arg14 : memref<!tpu.dma_semaphore, #tpu.memory_space<semaphore_mem>>)
      %add3A_216 = arith.constant 2 : i32
      %add3A_217 = arith.addi %add3A_187, %add3A_216 : i32
      %lt3A_218 = arith.constant 50 : i32
      %lt3A_219 = arith.cmpi slt, %add3A_217, %lt3A_218 : i32
      %ge3A_220 = arith.constant 5 : i32
      %ge3A_221 = arith.cmpi sge, %add3A_217, %ge3A_220 : i32
      %and3A_222 = arith.andi %lt3A_219, %ge3A_221 : i1
      %convert_element_type3A_223 = arith.extui %and3A_222 : i1 to i32
      %cond3A_224 = arith.constant 0 : i32
      %cond3A_225 = arith.cmpi ne, %convert_element_type3A_223, %cond3A_224 : i32
      scf.if %cond3A_225 {
        %dma_wait3A_325 = arith.constant 4 : i32
        %dma_wait3A_326 = arith.constant 0 : i32
        %dma_wait3A_327 = arith.constant 0 : i32
        %dma_wait3A_328 = tpu.memref_slice %arg6[%dma_wait3A_325, %dma_wait3A_326, %dma_wait3A_327] : memref<5x128x128xf32, #tpu.memory_space<vmem>> -> memref<1x128x128xf32, #tpu.memory_space<vmem>>
        %dma_wait3A_329 = tpu.memref_squeeze %dma_wait3A_328 : memref<1x128x128xf32, #tpu.memory_space<vmem>> -> memref<128x128xf32, #tpu.memory_space<vmem>>
        %dma_wait3A_330 = arith.constant 0 : i32
        %dma_wait3A_331 = tpu.memref_slice %arg4[%mul3A_2, %dma_wait3A_330] : memref<204800x128xf32, #tpu.memory_space<hbm>> -> memref<128x128xf32, #tpu.memory_space<hbm>>
        %dma_wait3A_332 = arith.constant 0 : i32
        %dma_wait3A_333 = tpu.memref_slice %arg4[%mul3A_2, %dma_wait3A_332] : memref<204800x128xf32, #tpu.memory_space<hbm>> -> memref<128x128xf32, #tpu.memory_space<hbm>>
        %dma_wait3A_334 = arith.constant 0 : i32
        %dma_wait3A_335 = arith.constant 0 : i32
        %dma_wait3A_336 = tpu.memref_slice %arg6[%dma_wait3A_325, %dma_wait3A_334, %dma_wait3A_335] : memref<5x128x128xf32, #tpu.memory_space<vmem>> -> memref<1x128x128xf32, #tpu.memory_space<vmem>>
        %dma_wait3A_337 = tpu.memref_squeeze %dma_wait3A_336 : memref<1x128x128xf32, #tpu.memory_space<vmem>> -> memref<128x128xf32, #tpu.memory_space<vmem>>
        tpu.wait_dma2 semaphore(%arg16 : memref<!tpu.dma_semaphore, #tpu.memory_space<semaphore_mem>>) src(%dma_wait3A_337 : memref<128x128xf32, #tpu.memory_space<vmem>>) dst(%dma_wait3A_333 : memref<128x128xf32, #tpu.memory_space<hbm>>)
      } else {
      }
      %lt3A_226 = arith.constant 50 : i32
      %lt3A_227 = arith.cmpi slt, %add3A_217, %lt3A_226 : i32
      %convert_element_type3A_228 = arith.extui %lt3A_227 : i1 to i32
      %cond3A_229 = arith.constant 0 : i32
      %cond3A_230 = arith.cmpi ne, %convert_element_type3A_228, %cond3A_229 : i32
      scf.if %cond3A_230 {
        %dma_start3A_325 = arith.constant 4 : i32
        %dma_start3A_326 = arith.constant 0 : i32
        %dma_start3A_327 = arith.constant 0 : i32
        %dma_start3A_328 = tpu.memref_slice %arg6[%dma_start3A_325, %dma_start3A_326, %dma_start3A_327] : memref<5x128x128xf32, #tpu.memory_space<vmem>> -> memref<1x128x128xf32, #tpu.memory_space<vmem>>
        %dma_start3A_329 = tpu.memref_squeeze %dma_start3A_328 : memref<1x128x128xf32, #tpu.memory_space<vmem>> -> memref<128x128xf32, #tpu.memory_space<vmem>>
        %dma_start3A_330 = arith.constant 0 : i32
        %dma_start3A_331 = tpu.memref_slice %arg5[%add3A_217, %dma_start3A_330] : memref<50x128xi32, #tpu.memory_space<vmem>> -> memref<1x128xi32, #tpu.memory_space<vmem>>
        %dma_start3A_332 = tpu.memref_squeeze %dma_start3A_331 : memref<1x128xi32, #tpu.memory_space<vmem>> -> memref<128xi32, #tpu.memory_space<vmem>>
        %dma_start3A_333 = arith.constant 0 : i32
        %dma_start3A_334 = arith.constant 0 : i32
        %dma_start3A_335 = tpu.memref_slice %arg2[%dma_start3A_333, %dma_start3A_334] : memref<1000001x128xf32, #tpu.memory_space<hbm>> -> memref<1000001x128xf32, #tpu.memory_space<hbm>>
        tpu.enqueue_indirect_dma source(%dma_start3A_335 : memref<1000001x128xf32, #tpu.memory_space<hbm>>) target(%dma_start3A_329 : memref<128x128xf32, #tpu.memory_space<vmem>>) offsets(%dma_start3A_332 : memref<128xi32, #tpu.memory_space<vmem>>) semaphore(%arg11 : memref<!tpu.dma_semaphore, #tpu.memory_space<semaphore_mem>>)
      } else {
      }
      %mul3A_231 = arith.constant 5 : i32
      %mul3A_232 = arith.muli %scan3A_94, %mul3A_231 : i32
      %add3A_233 = arith.constant 3 : i32
      %add3A_234 = arith.addi %mul3A_232, %add3A_233 : i32
      %dma_wait3A_235 = arith.constant 0 : i32
      %dma_wait3A_236 = arith.constant 3 : i32
      %dma_wait3A_237 = arith.constant 0 : i32
      %dma_wait3A_238 = arith.constant 0 : i32
      %dma_wait3A_239 = tpu.memref_slice %arg6[%dma_wait3A_236, %dma_wait3A_237, %dma_wait3A_238] : memref<5x128x128xf32, #tpu.memory_space<vmem>> -> memref<1x128x128xf32, #tpu.memory_space<vmem>>
      %dma_wait3A_240 = tpu.memref_squeeze %dma_wait3A_239 : memref<1x128x128xf32, #tpu.memory_space<vmem>> -> memref<128x128xf32, #tpu.memory_space<vmem>>
      %dma_wait3A_241 = arith.constant 0 : i32
      %dma_wait3A_242 = tpu.memref_slice %arg5[%dma_wait3A_235, %dma_wait3A_241] : memref<50x128xi32, #tpu.memory_space<vmem>> -> memref<1x128xi32, #tpu.memory_space<vmem>>
      %dma_wait3A_243 = tpu.memref_squeeze %dma_wait3A_242 : memref<1x128xi32, #tpu.memory_space<vmem>> -> memref<128xi32, #tpu.memory_space<vmem>>
      %dma_wait3A_244 = arith.constant 0 : i32
      %dma_wait3A_245 = arith.constant 0 : i32
      %dma_wait3A_246 = tpu.memref_slice %arg2[%dma_wait3A_244, %dma_wait3A_245] : memref<1000001x128xf32, #tpu.memory_space<hbm>> -> memref<1000001x128xf32, #tpu.memory_space<hbm>>
      tpu.wait_indirect_dma semaphore(%arg10 : memref<!tpu.dma_semaphore, #tpu.memory_space<semaphore_mem>>) src(%dma_wait3A_246 : memref<1000001x128xf32, #tpu.memory_space<hbm>>) dst(%dma_wait3A_240 : memref<128x128xf32, #tpu.memory_space<vmem>>)
      %mul3A_247 = arith.constant 4096 : i32
      %mul3A_248 = arith.muli %add3A_234, %mul3A_247 : i32
      %add3A_249 = arith.addi %mul3A_248, %mul3A_2 : i32
      %dma_start3A_250 = arith.constant 3 : i32
      %dma_start3A_251 = arith.constant 0 : i32
      %dma_start3A_252 = arith.constant 0 : i32
      %dma_start3A_253 = tpu.memref_slice %arg6[%dma_start3A_250, %dma_start3A_251, %dma_start3A_252] : memref<5x128x128xf32, #tpu.memory_space<vmem>> -> memref<1x128x128xf32, #tpu.memory_space<vmem>>
      %dma_start3A_254 = tpu.memref_squeeze %dma_start3A_253 : memref<1x128x128xf32, #tpu.memory_space<vmem>> -> memref<128x128xf32, #tpu.memory_space<vmem>>
      %dma_start3A_255 = arith.constant 0 : i32
      %dma_start3A_256 = tpu.memref_slice %arg4[%add3A_249, %dma_start3A_255] : memref<204800x128xf32, #tpu.memory_space<hbm>> -> memref<128x128xf32, #tpu.memory_space<hbm>>
      %dma_start3A_257 = arith.constant 0 : i32
      %dma_start3A_258 = tpu.memref_slice %arg4[%add3A_249, %dma_start3A_257] : memref<204800x128xf32, #tpu.memory_space<hbm>> -> memref<128x128xf32, #tpu.memory_space<hbm>>
      %dma_start3A_259 = arith.constant 0 : i32
      %dma_start3A_260 = arith.constant 0 : i32
      %dma_start3A_261 = tpu.memref_slice %arg6[%dma_start3A_250, %dma_start3A_259, %dma_start3A_260] : memref<5x128x128xf32, #tpu.memory_space<vmem>> -> memref<1x128x128xf32, #tpu.memory_space<vmem>>
      %dma_start3A_262 = tpu.memref_squeeze %dma_start3A_261 : memref<1x128x128xf32, #tpu.memory_space<vmem>> -> memref<128x128xf32, #tpu.memory_space<vmem>>
      tpu.enqueue_dma source(%dma_start3A_262 : memref<128x128xf32, #tpu.memory_space<vmem>>) target(%dma_start3A_258 : memref<128x128xf32, #tpu.memory_space<hbm>>) target_semaphore(%arg15 : memref<!tpu.dma_semaphore, #tpu.memory_space<semaphore_mem>>)
      %add3A_263 = arith.constant 2 : i32
      %add3A_264 = arith.addi %add3A_234, %add3A_263 : i32
      %lt3A_265 = arith.constant 50 : i32
      %lt3A_266 = arith.cmpi slt, %add3A_264, %lt3A_265 : i32
      %ge3A_267 = arith.constant 5 : i32
      %ge3A_268 = arith.cmpi sge, %add3A_264, %ge3A_267 : i32
      %and3A_269 = arith.andi %lt3A_266, %ge3A_268 : i1
      %convert_element_type3A_270 = arith.extui %and3A_269 : i1 to i32
      %cond3A_271 = arith.constant 0 : i32
      %cond3A_272 = arith.cmpi ne, %convert_element_type3A_270, %cond3A_271 : i32
      scf.if %cond3A_272 {
        %dma_wait3A_325 = arith.constant 0 : i32
        %dma_wait3A_326 = arith.constant 0 : i32
        %dma_wait3A_327 = arith.constant 0 : i32
        %dma_wait3A_328 = tpu.memref_slice %arg6[%dma_wait3A_325, %dma_wait3A_326, %dma_wait3A_327] : memref<5x128x128xf32, #tpu.memory_space<vmem>> -> memref<1x128x128xf32, #tpu.memory_space<vmem>>
        %dma_wait3A_329 = tpu.memref_squeeze %dma_wait3A_328 : memref<1x128x128xf32, #tpu.memory_space<vmem>> -> memref<128x128xf32, #tpu.memory_space<vmem>>
        %dma_wait3A_330 = arith.constant 0 : i32
        %dma_wait3A_331 = tpu.memref_slice %arg4[%mul3A_2, %dma_wait3A_330] : memref<204800x128xf32, #tpu.memory_space<hbm>> -> memref<128x128xf32, #tpu.memory_space<hbm>>
        %dma_wait3A_332 = arith.constant 0 : i32
        %dma_wait3A_333 = tpu.memref_slice %arg4[%mul3A_2, %dma_wait3A_332] : memref<204800x128xf32, #tpu.memory_space<hbm>> -> memref<128x128xf32, #tpu.memory_space<hbm>>
        %dma_wait3A_334 = arith.constant 0 : i32
        %dma_wait3A_335 = arith.constant 0 : i32
        %dma_wait3A_336 = tpu.memref_slice %arg6[%dma_wait3A_325, %dma_wait3A_334, %dma_wait3A_335] : memref<5x128x128xf32, #tpu.memory_space<vmem>> -> memref<1x128x128xf32, #tpu.memory_space<vmem>>
        %dma_wait3A_337 = tpu.memref_squeeze %dma_wait3A_336 : memref<1x128x128xf32, #tpu.memory_space<vmem>> -> memref<128x128xf32, #tpu.memory_space<vmem>>
        tpu.wait_dma2 semaphore(%arg12 : memref<!tpu.dma_semaphore, #tpu.memory_space<semaphore_mem>>) src(%dma_wait3A_337 : memref<128x128xf32, #tpu.memory_space<vmem>>) dst(%dma_wait3A_333 : memref<128x128xf32, #tpu.memory_space<hbm>>)
      } else {
      }
      %lt3A_273 = arith.constant 50 : i32
      %lt3A_274 = arith.cmpi slt, %add3A_264, %lt3A_273 : i32
      %convert_element_type3A_275 = arith.extui %lt3A_274 : i1 to i32
      %cond3A_276 = arith.constant 0 : i32
      %cond3A_277 = arith.cmpi ne, %convert_element_type3A_275, %cond3A_276 : i32
      scf.if %cond3A_277 {
        %dma_start3A_325 = arith.constant 0 : i32
        %dma_start3A_326 = arith.constant 0 : i32
        %dma_start3A_327 = arith.constant 0 : i32
        %dma_start3A_328 = tpu.memref_slice %arg6[%dma_start3A_325, %dma_start3A_326, %dma_start3A_327] : memref<5x128x128xf32, #tpu.memory_space<vmem>> -> memref<1x128x128xf32, #tpu.memory_space<vmem>>
        %dma_start3A_329 = tpu.memref_squeeze %dma_start3A_328 : memref<1x128x128xf32, #tpu.memory_space<vmem>> -> memref<128x128xf32, #tpu.memory_space<vmem>>
        %dma_start3A_330 = arith.constant 0 : i32
        %dma_start3A_331 = tpu.memref_slice %arg5[%add3A_264, %dma_start3A_330] : memref<50x128xi32, #tpu.memory_space<vmem>> -> memref<1x128xi32, #tpu.memory_space<vmem>>
        %dma_start3A_332 = tpu.memref_squeeze %dma_start3A_331 : memref<1x128xi32, #tpu.memory_space<vmem>> -> memref<128xi32, #tpu.memory_space<vmem>>
        %dma_start3A_333 = arith.constant 0 : i32
        %dma_start3A_334 = arith.constant 0 : i32
        %dma_start3A_335 = tpu.memref_slice %arg2[%dma_start3A_333, %dma_start3A_334] : memref<1000001x128xf32, #tpu.memory_space<hbm>> -> memref<1000001x128xf32, #tpu.memory_space<hbm>>
        tpu.enqueue_indirect_dma source(%dma_start3A_335 : memref<1000001x128xf32, #tpu.memory_space<hbm>>) target(%dma_start3A_329 : memref<128x128xf32, #tpu.memory_space<vmem>>) offsets(%dma_start3A_332 : memref<128xi32, #tpu.memory_space<vmem>>) semaphore(%arg7 : memref<!tpu.dma_semaphore, #tpu.memory_space<semaphore_mem>>)
      } else {
      }
      %mul3A_278 = arith.constant 5 : i32
      %mul3A_279 = arith.muli %scan3A_94, %mul3A_278 : i32
      %add3A_280 = arith.constant 4 : i32
      %add3A_281 = arith.addi %mul3A_279, %add3A_280 : i32
      %dma_wait3A_282 = arith.constant 0 : i32
      %dma_wait3A_283 = arith.constant 4 : i32
      %dma_wait3A_284 = arith.constant 0 : i32
      %dma_wait3A_285 = arith.constant 0 : i32
      %dma_wait3A_286 = tpu.memref_slice %arg6[%dma_wait3A_283, %dma_wait3A_284, %dma_wait3A_285] : memref<5x128x128xf32, #tpu.memory_space<vmem>> -> memref<1x128x128xf32, #tpu.memory_space<vmem>>
      %dma_wait3A_287 = tpu.memref_squeeze %dma_wait3A_286 : memref<1x128x128xf32, #tpu.memory_space<vmem>> -> memref<128x128xf32, #tpu.memory_space<vmem>>
      %dma_wait3A_288 = arith.constant 0 : i32
      %dma_wait3A_289 = tpu.memref_slice %arg5[%dma_wait3A_282, %dma_wait3A_288] : memref<50x128xi32, #tpu.memory_space<vmem>> -> memref<1x128xi32, #tpu.memory_space<vmem>>
      %dma_wait3A_290 = tpu.memref_squeeze %dma_wait3A_289 : memref<1x128xi32, #tpu.memory_space<vmem>> -> memref<128xi32, #tpu.memory_space<vmem>>
      %dma_wait3A_291 = arith.constant 0 : i32
      %dma_wait3A_292 = arith.constant 0 : i32
      %dma_wait3A_293 = tpu.memref_slice %arg2[%dma_wait3A_291, %dma_wait3A_292] : memref<1000001x128xf32, #tpu.memory_space<hbm>> -> memref<1000001x128xf32, #tpu.memory_space<hbm>>
      tpu.wait_indirect_dma semaphore(%arg11 : memref<!tpu.dma_semaphore, #tpu.memory_space<semaphore_mem>>) src(%dma_wait3A_293 : memref<1000001x128xf32, #tpu.memory_space<hbm>>) dst(%dma_wait3A_287 : memref<128x128xf32, #tpu.memory_space<vmem>>)
      %mul3A_294 = arith.constant 4096 : i32
      %mul3A_295 = arith.muli %add3A_281, %mul3A_294 : i32
      %add3A_296 = arith.addi %mul3A_295, %mul3A_2 : i32
      %dma_start3A_297 = arith.constant 4 : i32
      %dma_start3A_298 = arith.constant 0 : i32
      %dma_start3A_299 = arith.constant 0 : i32
      %dma_start3A_300 = tpu.memref_slice %arg6[%dma_start3A_297, %dma_start3A_298, %dma_start3A_299] : memref<5x128x128xf32, #tpu.memory_space<vmem>> -> memref<1x128x128xf32, #tpu.memory_space<vmem>>
      %dma_start3A_301 = tpu.memref_squeeze %dma_start3A_300 : memref<1x128x128xf32, #tpu.memory_space<vmem>> -> memref<128x128xf32, #tpu.memory_space<vmem>>
      %dma_start3A_302 = arith.constant 0 : i32
      %dma_start3A_303 = tpu.memref_slice %arg4[%add3A_296, %dma_start3A_302] : memref<204800x128xf32, #tpu.memory_space<hbm>> -> memref<128x128xf32, #tpu.memory_space<hbm>>
      %dma_start3A_304 = arith.constant 0 : i32
      %dma_start3A_305 = tpu.memref_slice %arg4[%add3A_296, %dma_start3A_304] : memref<204800x128xf32, #tpu.memory_space<hbm>> -> memref<128x128xf32, #tpu.memory_space<hbm>>
      %dma_start3A_306 = arith.constant 0 : i32
      %dma_start3A_307 = arith.constant 0 : i32
      %dma_start3A_308 = tpu.memref_slice %arg6[%dma_start3A_297, %dma_start3A_306, %dma_start3A_307] : memref<5x128x128xf32, #tpu.memory_space<vmem>> -> memref<1x128x128xf32, #tpu.memory_space<vmem>>
      %dma_start3A_309 = tpu.memref_squeeze %dma_start3A_308 : memref<1x128x128xf32, #tpu.memory_space<vmem>> -> memref<128x128xf32, #tpu.memory_space<vmem>>
      tpu.enqueue_dma source(%dma_start3A_309 : memref<128x128xf32, #tpu.memory_space<vmem>>) target(%dma_start3A_305 : memref<128x128xf32, #tpu.memory_space<hbm>>) target_semaphore(%arg16 : memref<!tpu.dma_semaphore, #tpu.memory_space<semaphore_mem>>)
      %add3A_310 = arith.constant 2 : i32
      %add3A_311 = arith.addi %add3A_281, %add3A_310 : i32
      %lt3A_312 = arith.constant 50 : i32
      %lt3A_313 = arith.cmpi slt, %add3A_311, %lt3A_312 : i32
      %ge3A_314 = arith.constant 5 : i32
      %ge3A_315 = arith.cmpi sge, %add3A_311, %ge3A_314 : i32
      %and3A_316 = arith.andi %lt3A_313, %ge3A_315 : i1
      %convert_element_type3A_317 = arith.extui %and3A_316 : i1 to i32
      %cond3A_318 = arith.constant 0 : i32
      %cond3A_319 = arith.cmpi ne, %convert_element_type3A_317, %cond3A_318 : i32
      scf.if %cond3A_319 {
        %dma_wait3A_325 = arith.constant 1 : i32
        %dma_wait3A_326 = arith.constant 0 : i32
        %dma_wait3A_327 = arith.constant 0 : i32
        %dma_wait3A_328 = tpu.memref_slice %arg6[%dma_wait3A_325, %dma_wait3A_326, %dma_wait3A_327] : memref<5x128x128xf32, #tpu.memory_space<vmem>> -> memref<1x128x128xf32, #tpu.memory_space<vmem>>
        %dma_wait3A_329 = tpu.memref_squeeze %dma_wait3A_328 : memref<1x128x128xf32, #tpu.memory_space<vmem>> -> memref<128x128xf32, #tpu.memory_space<vmem>>
        %dma_wait3A_330 = arith.constant 0 : i32
        %dma_wait3A_331 = tpu.memref_slice %arg4[%mul3A_2, %dma_wait3A_330] : memref<204800x128xf32, #tpu.memory_space<hbm>> -> memref<128x128xf32, #tpu.memory_space<hbm>>
        %dma_wait3A_332 = arith.constant 0 : i32
        %dma_wait3A_333 = tpu.memref_slice %arg4[%mul3A_2, %dma_wait3A_332] : memref<204800x128xf32, #tpu.memory_space<hbm>> -> memref<128x128xf32, #tpu.memory_space<hbm>>
        %dma_wait3A_334 = arith.constant 0 : i32
        %dma_wait3A_335 = arith.constant 0 : i32
        %dma_wait3A_336 = tpu.memref_slice %arg6[%dma_wait3A_325, %dma_wait3A_334, %dma_wait3A_335] : memref<5x128x128xf32, #tpu.memory_space<vmem>> -> memref<1x128x128xf32, #tpu.memory_space<vmem>>
        %dma_wait3A_337 = tpu.memref_squeeze %dma_wait3A_336 : memref<1x128x128xf32, #tpu.memory_space<vmem>> -> memref<128x128xf32, #tpu.memory_space<vmem>>
        tpu.wait_dma2 semaphore(%arg13 : memref<!tpu.dma_semaphore, #tpu.memory_space<semaphore_mem>>) src(%dma_wait3A_337 : memref<128x128xf32, #tpu.memory_space<vmem>>) dst(%dma_wait3A_333 : memref<128x128xf32, #tpu.memory_space<hbm>>)
      } else {
      }
      %lt3A_320 = arith.constant 50 : i32
      %lt3A_321 = arith.cmpi slt, %add3A_311, %lt3A_320 : i32
      %convert_element_type3A_322 = arith.extui %lt3A_321 : i1 to i32
      %cond3A_323 = arith.constant 0 : i32
      %cond3A_324 = arith.cmpi ne, %convert_element_type3A_322, %cond3A_323 : i32
      scf.if %cond3A_324 {
        %dma_start3A_325 = arith.constant 1 : i32
        %dma_start3A_326 = arith.constant 0 : i32
        %dma_start3A_327 = arith.constant 0 : i32
        %dma_start3A_328 = tpu.memref_slice %arg6[%dma_start3A_325, %dma_start3A_326, %dma_start3A_327] : memref<5x128x128xf32, #tpu.memory_space<vmem>> -> memref<1x128x128xf32, #tpu.memory_space<vmem>>
        %dma_start3A_329 = tpu.memref_squeeze %dma_start3A_328 : memref<1x128x128xf32, #tpu.memory_space<vmem>> -> memref<128x128xf32, #tpu.memory_space<vmem>>
        %dma_start3A_330 = arith.constant 0 : i32
        %dma_start3A_331 = tpu.memref_slice %arg5[%add3A_311, %dma_start3A_330] : memref<50x128xi32, #tpu.memory_space<vmem>> -> memref<1x128xi32, #tpu.memory_space<vmem>>
        %dma_start3A_332 = tpu.memref_squeeze %dma_start3A_331 : memref<1x128xi32, #tpu.memory_space<vmem>> -> memref<128xi32, #tpu.memory_space<vmem>>
        %dma_start3A_333 = arith.constant 0 : i32
        %dma_start3A_334 = arith.constant 0 : i32
        %dma_start3A_335 = tpu.memref_slice %arg2[%dma_start3A_333, %dma_start3A_334] : memref<1000001x128xf32, #tpu.memory_space<hbm>> -> memref<1000001x128xf32, #tpu.memory_space<hbm>>
        tpu.enqueue_indirect_dma source(%dma_start3A_335 : memref<1000001x128xf32, #tpu.memory_space<hbm>>) target(%dma_start3A_329 : memref<128x128xf32, #tpu.memory_space<vmem>>) offsets(%dma_start3A_332 : memref<128xi32, #tpu.memory_space<vmem>>) semaphore(%arg8 : memref<!tpu.dma_semaphore, #tpu.memory_space<semaphore_mem>>)
      } else {
      }
    }
    %scan3A_29 = arith.constant 10 : i32
    %dma_wait3A = arith.constant 0 : i32
    %dma_wait3A_30 = arith.constant 0 : i32
    %dma_wait3A_31 = arith.constant 0 : i32
    %dma_wait3A_32 = tpu.memref_slice %arg6[%dma_wait3A, %dma_wait3A_30, %dma_wait3A_31] : memref<5x128x128xf32, #tpu.memory_space<vmem>> -> memref<1x128x128xf32, #tpu.memory_space<vmem>>
    %dma_wait3A_33 = tpu.memref_squeeze %dma_wait3A_32 : memref<1x128x128xf32, #tpu.memory_space<vmem>> -> memref<128x128xf32, #tpu.memory_space<vmem>>
    %dma_wait3A_34 = arith.constant 0 : i32
    %dma_wait3A_35 = tpu.memref_slice %arg4[%mul3A_2, %dma_wait3A_34] : memref<204800x128xf32, #tpu.memory_space<hbm>> -> memref<128x128xf32, #tpu.memory_space<hbm>>
    %dma_wait3A_36 = arith.constant 0 : i32
    %dma_wait3A_37 = tpu.memref_slice %arg4[%mul3A_2, %dma_wait3A_36] : memref<204800x128xf32, #tpu.memory_space<hbm>> -> memref<128x128xf32, #tpu.memory_space<hbm>>
    %dma_wait3A_38 = arith.constant 0 : i32
    %dma_wait3A_39 = arith.constant 0 : i32
    %dma_wait3A_40 = tpu.memref_slice %arg6[%dma_wait3A, %dma_wait3A_38, %dma_wait3A_39] : memref<5x128x128xf32, #tpu.memory_space<vmem>> -> memref<1x128x128xf32, #tpu.memory_space<vmem>>
    %dma_wait3A_41 = tpu.memref_squeeze %dma_wait3A_40 : memref<1x128x128xf32, #tpu.memory_space<vmem>> -> memref<128x128xf32, #tpu.memory_space<vmem>>
    tpu.wait_dma2 semaphore(%arg12 : memref<!tpu.dma_semaphore, #tpu.memory_space<semaphore_mem>>) src(%dma_wait3A_41 : memref<128x128xf32, #tpu.memory_space<vmem>>) dst(%dma_wait3A_37 : memref<128x128xf32, #tpu.memory_space<hbm>>)
    %dma_wait3A_42 = arith.constant 1 : i32
    %dma_wait3A_43 = arith.constant 0 : i32
    %dma_wait3A_44 = arith.constant 0 : i32
    %dma_wait3A_45 = tpu.memref_slice %arg6[%dma_wait3A_42, %dma_wait3A_43, %dma_wait3A_44] : memref<5x128x128xf32, #tpu.memory_space<vmem>> -> memref<1x128x128xf32, #tpu.memory_space<vmem>>
    %dma_wait3A_46 = tpu.memref_squeeze %dma_wait3A_45 : memref<1x128x128xf32, #tpu.memory_space<vmem>> -> memref<128x128xf32, #tpu.memory_space<vmem>>
    %dma_wait3A_47 = arith.constant 0 : i32
    %dma_wait3A_48 = tpu.memref_slice %arg4[%mul3A_2, %dma_wait3A_47] : memref<204800x128xf32, #tpu.memory_space<hbm>> -> memref<128x128xf32, #tpu.memory_space<hbm>>
    %dma_wait3A_49 = arith.constant 0 : i32
    %dma_wait3A_50 = tpu.memref_slice %arg4[%mul3A_2, %dma_wait3A_49] : memref<204800x128xf32, #tpu.memory_space<hbm>> -> memref<128x128xf32, #tpu.memory_space<hbm>>
    %dma_wait3A_51 = arith.constant 0 : i32
    %dma_wait3A_52 = arith.constant 0 : i32
    %dma_wait3A_53 = tpu.memref_slice %arg6[%dma_wait3A_42, %dma_wait3A_51, %dma_wait3A_52] : memref<5x128x128xf32, #tpu.memory_space<vmem>> -> memref<1x128x128xf32, #tpu.memory_space<vmem>>
    %dma_wait3A_54 = tpu.memref_squeeze %dma_wait3A_53 : memref<1x128x128xf32, #tpu.memory_space<vmem>> -> memref<128x128xf32, #tpu.memory_space<vmem>>
    tpu.wait_dma2 semaphore(%arg13 : memref<!tpu.dma_semaphore, #tpu.memory_space<semaphore_mem>>) src(%dma_wait3A_54 : memref<128x128xf32, #tpu.memory_space<vmem>>) dst(%dma_wait3A_50 : memref<128x128xf32, #tpu.memory_space<hbm>>)
    %dma_wait3A_55 = arith.constant 2 : i32
    %dma_wait3A_56 = arith.constant 0 : i32
    %dma_wait3A_57 = arith.constant 0 : i32
    %dma_wait3A_58 = tpu.memref_slice %arg6[%dma_wait3A_55, %dma_wait3A_56, %dma_wait3A_57] : memref<5x128x128xf32, #tpu.memory_space<vmem>> -> memref<1x128x128xf32, #tpu.memory_space<vmem>>
    %dma_wait3A_59 = tpu.memref_squeeze %dma_wait3A_58 : memref<1x128x128xf32, #tpu.memory_space<vmem>> -> memref<128x128xf32, #tpu.memory_space<vmem>>
    %dma_wait3A_60 = arith.constant 0 : i32
    %dma_wait3A_61 = tpu.memref_slice %arg4[%mul3A_2, %dma_wait3A_60] : memref<204800x128xf32, #tpu.memory_space<hbm>> -> memref<128x128xf32, #tpu.memory_space<hbm>>
    %dma_wait3A_62 = arith.constant 0 : i32
    %dma_wait3A_63 = tpu.memref_slice %arg4[%mul3A_2, %dma_wait3A_62] : memref<204800x128xf32, #tpu.memory_space<hbm>> -> memref<128x128xf32, #tpu.memory_space<hbm>>
    %dma_wait3A_64 = arith.constant 0 : i32
    %dma_wait3A_65 = arith.constant 0 : i32
    %dma_wait3A_66 = tpu.memref_slice %arg6[%dma_wait3A_55, %dma_wait3A_64, %dma_wait3A_65] : memref<5x128x128xf32, #tpu.memory_space<vmem>> -> memref<1x128x128xf32, #tpu.memory_space<vmem>>
    %dma_wait3A_67 = tpu.memref_squeeze %dma_wait3A_66 : memref<1x128x128xf32, #tpu.memory_space<vmem>> -> memref<128x128xf32, #tpu.memory_space<vmem>>
    tpu.wait_dma2 semaphore(%arg14 : memref<!tpu.dma_semaphore, #tpu.memory_space<semaphore_mem>>) src(%dma_wait3A_67 : memref<128x128xf32, #tpu.memory_space<vmem>>) dst(%dma_wait3A_63 : memref<128x128xf32, #tpu.memory_space<hbm>>)
    %dma_wait3A_68 = arith.constant 3 : i32
    %dma_wait3A_69 = arith.constant 0 : i32
    %dma_wait3A_70 = arith.constant 0 : i32
    %dma_wait3A_71 = tpu.memref_slice %arg6[%dma_wait3A_68, %dma_wait3A_69, %dma_wait3A_70] : memref<5x128x128xf32, #tpu.memory_space<vmem>> -> memref<1x128x128xf32, #tpu.memory_space<vmem>>
    %dma_wait3A_72 = tpu.memref_squeeze %dma_wait3A_71 : memref<1x128x128xf32, #tpu.memory_space<vmem>> -> memref<128x128xf32, #tpu.memory_space<vmem>>
    %dma_wait3A_73 = arith.constant 0 : i32
    %dma_wait3A_74 = tpu.memref_slice %arg4[%mul3A_2, %dma_wait3A_73] : memref<204800x128xf32, #tpu.memory_space<hbm>> -> memref<128x128xf32, #tpu.memory_space<hbm>>
    %dma_wait3A_75 = arith.constant 0 : i32
    %dma_wait3A_76 = tpu.memref_slice %arg4[%mul3A_2, %dma_wait3A_75] : memref<204800x128xf32, #tpu.memory_space<hbm>> -> memref<128x128xf32, #tpu.memory_space<hbm>>
    %dma_wait3A_77 = arith.constant 0 : i32
    %dma_wait3A_78 = arith.constant 0 : i32
    %dma_wait3A_79 = tpu.memref_slice %arg6[%dma_wait3A_68, %dma_wait3A_77, %dma_wait3A_78] : memref<5x128x128xf32, #tpu.memory_space<vmem>> -> memref<1x128x128xf32, #tpu.memory_space<vmem>>
    %dma_wait3A_80 = tpu.memref_squeeze %dma_wait3A_79 : memref<1x128x128xf32, #tpu.memory_space<vmem>> -> memref<128x128xf32, #tpu.memory_space<vmem>>
    tpu.wait_dma2 semaphore(%arg15 : memref<!tpu.dma_semaphore, #tpu.memory_space<semaphore_mem>>) src(%dma_wait3A_80 : memref<128x128xf32, #tpu.memory_space<vmem>>) dst(%dma_wait3A_76 : memref<128x128xf32, #tpu.memory_space<hbm>>)
    %dma_wait3A_81 = arith.constant 4 : i32
    %dma_wait3A_82 = arith.constant 0 : i32
    %dma_wait3A_83 = arith.constant 0 : i32
    %dma_wait3A_84 = tpu.memref_slice %arg6[%dma_wait3A_81, %dma_wait3A_82, %dma_wait3A_83] : memref<5x128x128xf32, #tpu.memory_space<vmem>> -> memref<1x128x128xf32, #tpu.memory_space<vmem>>
    %dma_wait3A_85 = tpu.memref_squeeze %dma_wait3A_84 : memref<1x128x128xf32, #tpu.memory_space<vmem>> -> memref<128x128xf32, #tpu.memory_space<vmem>>
    %dma_wait3A_86 = arith.constant 0 : i32
    %dma_wait3A_87 = tpu.memref_slice %arg4[%mul3A_2, %dma_wait3A_86] : memref<204800x128xf32, #tpu.memory_space<hbm>> -> memref<128x128xf32, #tpu.memory_space<hbm>>
    %dma_wait3A_88 = arith.constant 0 : i32
    %dma_wait3A_89 = tpu.memref_slice %arg4[%mul3A_2, %dma_wait3A_88] : memref<204800x128xf32, #tpu.memory_space<hbm>> -> memref<128x128xf32, #tpu.memory_space<hbm>>
    %dma_wait3A_90 = arith.constant 0 : i32
    %dma_wait3A_91 = arith.constant 0 : i32
    %dma_wait3A_92 = tpu.memref_slice %arg6[%dma_wait3A_81, %dma_wait3A_90, %dma_wait3A_91] : memref<5x128x128xf32, #tpu.memory_space<vmem>> -> memref<1x128x128xf32, #tpu.memory_space<vmem>>
    %dma_wait3A_93 = tpu.memref_squeeze %dma_wait3A_92 : memref<1x128x128xf32, #tpu.memory_space<vmem>> -> memref<128x128xf32, #tpu.memory_space<vmem>>
    tpu.wait_dma2 semaphore(%arg16 : memref<!tpu.dma_semaphore, #tpu.memory_space<semaphore_mem>>) src(%dma_wait3A_93 : memref<128x128xf32, #tpu.memory_space<vmem>>) dst(%dma_wait3A_89 : memref<128x128xf32, #tpu.memory_space<hbm>>)
    return
  }
}

</mosaic_0001>

<sc_bundles>
// kernel: kernel.3.cloned.1.call-start
scs
__scs_entry_jumppad:
0x0: {  	(pc) =	sbr.rel $0x88, $3  }
0x1: {  	(tag) =	ssettag $0x0;
	lr =	simm.s32 $0x1  }
0x2: {  	[smem:$0x3F9F] =	sst lr;
	_ =	strace $0xD0000000  }
0x3: {  	_ = 	snop  }
0x4: {  	_ = 	snop  }
0x5: {  	_ = 	snop  }
0x6: {  	_ = 	snop  }
0x7: {  	_ = 	snop  }
__scs_overlays_trampoline_lowered:
0x8: {  	[smem:$0x3FAE] =	sst s0  }
0x9: {  	[smem:$0x3FAF] =	sst s1  }
0xa: {  	[smem:$0x3FB0] =	sst s2  }
0xb: {  	[smem:$0x3FB1] =	sst s3  }
0xc: {  	[smem:$0x3FB2] =	sst s4  }
0xd: {  	[smem:$0x3FB3] =	sst s5  }
0xe: {  	[smem:$0x3FB4] =	sst s6  }
0xf: {  	[smem:$0x3FB5] =	sst s7  }
0x10: {  	[smem:$0x3FB6] =	sst s8  }
0x11: {  	[smem:$0x3FB7] =	sst s9;
	s0 =	simm.s32 @!p0 $0x0  }
0x12: {  	s1 =	sld [smem:$0x3F9D];
	s0 =	simm.s32 @p0 $0x1  }
0x13: {  	[smem:$0x3FB8] =	sst s0;
	s0 =	simm.s32 @!p1 $0x0  }
0x14: {  	s2 =	sld [smem:$0x3F9C];
	s0 =	simm.s32 @p1 $0x1  }
0x15: {  	[smem:$0x3FB9] =	sst s0;
	s0 =	simm.s32 @!p2 $0x0  }
0x16: {  	s3 =	sld [smem:$0x3FDB];
	s0 =	simm.s32 @p2 $0x1  }
0x17: {  	s4 =	simm.s32 $0x1BF5;
	[smem:$0x3FBB] =	sst s0  }
0x18: {  	s0 =	sld [smem:$0x3F9E];
	_ =	swait.ge [sflag:s4], $0x0  }
0x19: {  	s7 =	sld [smem:$0x3F9F]  }
0x1a: {  	s8 =	sadd.s32 $0xFFFFE003, lr  }
0x1b: {  	s9 =	sadd.s32 $0xFFFFFEF7, lr;
	s5 =	simm.s32 $0xFFFFFFFF;
	p2 =	slt.u32 s8, $0xFFFFF086  }
0x1c: {  	p1 =	slt.u32 s9, $0xF7A;
	s5 =	simm.s32 @!p2 $0x0  }
0x1d: {  	s5 =	simm.s32 @p1 $0x1;
	p0 =	seq.s32 s7, s2  }
0x1e: {  	s7 =	smul.u32 @!p0 $0xF7A, s2;
	p2 =	seq.s32 @!p0 s5, $0x0  }
0x1f: {  	s9 =	smul.u32 $0xF7A, s1;
	s8 =	simm.s32 @!p0 $0x1BF5;
	p2 =	por !p2, p0  }
0x20: {  	[sflag:s8] =	ssyncset.s32 @!p0 $0xFFFFF086;
	s6 =	sadd.s32 @!p0 s3, s7;
	s7 =	simm.s32 @!p0 $0x108  }
0x21: {  	s3 =	sadd.s32 s3, s9;
	s6 =	sadd.s32 @!p0 $0x88, s6;
	s7 =	simm.s32 @p2 $0x1082  }
0x22: {  	[simem:s7], [sflag:s8] =	dma.local @!p0 [hbm:s6], $0xF7A  }
0x23: {  	s9 =	sor.u32 $0xD0000000, s2;
	s6 =	simm.s32 $0x108;
	_ =	swait.ge @!p0 [sflag:s8], $0x0  }
0x24: {  	s3 =	sadd.s32 $0x88, s3;
	s6 =	simm.s32 @!p1 $0x1082;
	[sflag:s4] =	ssyncset.s32 $0xFFFFF086  }
0x25: {  	[simem:s6], [sflag:s4] =	dma.local [hbm:s3], $0xF7A  }
0x26: {  	[smem:$0x3F9F] =	sst s1;
	(tag) =	ssettag s2;
	_ =	strace s9  }
0x27: {  	s1 =	sld [smem:$0x3FAF]  }
0x28: {  	s2 =	sld [smem:$0x3FB0]  }
0x29: {  	s4 =	sld [smem:$0x3FB2]  }
0x2a: {  	p0 =	seq.s32 s5, $0x0;
	s5 =	sld [smem:$0x3FB3]  }
0x2b: {  	s6 =	sld [smem:$0x3FB4]  }
0x2c: {  	s7 =	sld [smem:$0x3FB5]  }
0x2d: {  	s3 =	simm.s32 $0x108;
	s8 =	sld [smem:$0x3FB6]  }
0x2e: {  	s3 =	simm.s32 @!p0 $0x1082;
	s9 =	sld [smem:$0x3FB7]  }
0x2f: {  	lr =	sadd.s32 s0, s3;
	s0 =	sld [smem:$0x3FAE]  }
0x30: {  	s3 =	sld [smem:$0x3FB1]  }
0x31: {  	[smem:$0x3FBA] =	sst s10  }
0x32: {  	s10 =	sld [smem:$0x3FB8];
	_ =	sdelay $0x3  }
0x33: {  	p0 =	seq.s32 s10, $0x1;
	s10 =	sld [smem:$0x3FBA];
	_ =	sdelay $0x3  }
0x34: {  	[smem:$0x3FBA] =	sst s10  }
0x35: {  	s10 =	sld [smem:$0x3FB9];
	_ =	sdelay $0x3  }
0x36: {  	p1 =	seq.s32 s10, $0x1;
	s10 =	sld [smem:$0x3FBA];
	_ =	sdelay $0x3  }
0x37: {  	[smem:$0x3FBA] =	sst s10  }
0x38: {  	s10 =	sld [smem:$0x3FBB]  }
0x39: {  	_ = 	snop;
	(pc) =	sbr.ind lr, $3  }
0x3a: {  	_ = 	snop  }
0x3b: {  	_ = 	snop  }
0x3c: {  	p2 =	seq.s32 s10, $0x1;
	s10 =	sld [smem:$0x3FBA]  }
0x3d: {  	_ =	shalt  }
0x3e: {  	_ =	shalt  }
0x3f: {  	_ =	shalt  }
0x40: {  	_ =	shalt  }
0x41: {  	_ =	shalt  }
0x42: {  	_ =	shalt  }
0x43: {  	_ =	shalt  }
0x44: {  	_ =	shalt  }
0x45: {  	_ =	shalt  }
0x46: {  	_ =	shalt  }
0x47: {  	_ =	shalt  }
0x48: {  	_ =	shalt  }
0x49: {  	_ =	shalt  }
0x4a: {  	_ =	shalt  }
0x4b: {  	_ =	shalt  }
0x4c: {  	_ =	shalt  }
0x4d: {  	_ =	shalt  }
0x4e: {  	_ =	shalt  }
0x4f: {  	_ =	shalt  }
0x50: {  	_ =	shalt  }
0x51: {  	_ =	shalt  }
0x52: {  	_ =	shalt  }
0x53: {  	_ =	shalt  }
0x54: {  	_ =	shalt  }
0x55: {  	_ =	shalt  }
0x56: {  	_ =	shalt  }
0x57: {  	_ =	shalt  }
0x58: {  	_ =	shalt  }
0x59: {  	_ =	shalt  }
0x5a: {  	_ =	shalt  }
0x5b: {  	_ =	shalt  }
0x5c: {  	_ =	shalt  }
0x5d: {  	_ =	shalt  }
0x5e: {  	_ =	shalt  }
0x5f: {  	_ =	shalt  }
0x60: {  	_ =	shalt  }
0x61: {  	_ =	shalt  }
0x62: {  	_ =	shalt  }
0x63: {  	_ =	shalt  }
0x64: {  	_ =	shalt  }
0x65: {  	_ =	shalt  }
0x66: {  	_ =	shalt  }
0x67: {  	_ =	shalt  }
0x68: {  	_ =	shalt  }
0x69: {  	_ =	shalt  }
0x6a: {  	_ =	shalt  }
0x6b: {  	_ =	shalt  }
0x6c: {  	_ =	shalt  }
0x6d: {  	_ =	shalt  }
0x6e: {  	_ =	shalt  }
0x6f: {  	_ =	shalt  }
0x70: {  	_ =	shalt  }
0x71: {  	_ =	shalt  }
0x72: {  	_ =	shalt  }
0x73: {  	_ =	shalt  }
0x74: {  	_ =	shalt  }
0x75: {  	_ =	shalt  }
0x76: {  	_ =	shalt  }
0x77: {  	_ =	shalt  }
0x78: {  	_ =	shalt  }
0x79: {  	_ =	shalt  }
0x7a: {  	_ =	shalt  }
0x7b: {  	_ =	shalt  }
0x7c: {  	_ =	shalt  }
0x7d: {  	_ =	shalt  }
0x7e: {  	_ =	shalt  }
0x7f: {  	_ =	shalt  }
0x80: {  	_ =	shalt  }
0x81: {  	_ =	shalt  }
0x82: {  	_ =	shalt  }
0x83: {  	_ =	shalt  }
0x84: {  	_ =	shalt  }
0x85: {  	_ =	shalt  }
0x86: {  	_ =	shalt  }
0x87: {  	_ =	shalt  }
.Lfunc_end0:
.L_simem_size_0:
called_computation_lowered:
.L_overlay_start_0:
0x88: {  	s2 =	sld [smem:$0x3FD9]  }
0x89: {  	s3 =	sld [smem:$0x3FFE];
	_ =	sdelay $0x1  }
0x8a: {  	s1 =	srdreg.scid  }
0x8b: {  	s0 =	sand.u32 $0x1, s1  }
0x8c: {  	s18 =	sshll.u32 s0, $0xA;
	s2 =	sadd.s32 s3, s2  }
0x8d: {  	s2 =	sadd.s32 s2, s18  }
0x8e: {  	[smem:$0x3FC6] =	sst s2  }
0x8f: {  	_ = 	snop  }
0x90: {  	s2 =	sld [smem:$0x3FC9]  }
0x91: {  	s19 =	sld [smem:$0x3FC8]  }
0x92: {  	s4 =	sld [smem:$0x3FD0];
	(tm) =	ssettm $0x1  }
0x93: {  	s5 =	sld [smem:$0x3FFB];
	_ =	sdelay $0x3  }
0x94: {  	_ =	strace s5  }
0x95: {  	s5 =	sld [smem:$0x3FFC];
	_ =	sdelay $0x3  }
0x96: {  	_ =	strace s5  }
0x97: {  	s5 =	sld [smem:$0x3FFD];
	_ =	sdelay $0x3  }
0x98: {  	_ =	strace s5  }
0x99: {  	_ =	strace $0x8FFFFFFF  }
0x9a: {  	s20 =	sld [smem:$0x3FDB];
	_ =	sdelay $0x1  }
0x9b: {  	s6 =	simm.s32 $_scs_section_size  }
0x9c: {  	s7 =	simm.s32 $_size__tile_overlayer_lowered;
	s8 =	simm.s32 $_tile_overlayer_lowered  }
0x9d: {  	s23 =	simm.s32 $0x1BFF;
	s22 =	sshll.u32 s8, $0x1;
	s5 =	sadd.s32 s6, s20  }
0x9e: {  	s9 =	simm.s32 $0x0;
	s21 =	sshll.u32 s7, $0x1;
	s7 =	sadd.s32 s22, s5  }
0x9f: {  	[timem:s9], [sflag:s23] =	dma.local [hbm:s7], s21  }
0xa0: {  	_ =	swait.ge [sflag:s23], s21  }
0xa1: {  	s6 =	ssub.s32 $0x0, s21;
	[sflag:s23] =	ssyncset.done $0x0  }
0xa2: {  	[sflag:s23] =	ssyncadd.s32 s6;
	_ =	sdelay $0x1  }
0xa3: {  	s24 =	simm.s32 $0x1B8B  }
0xa4: {  	_ =	swait.ge [sflag:s24], $0x1  }
0xa5: {  	[sflag:s24] =	ssyncset.done $0x0  }
0xa6: {  	s25 =	simm.s32 $0x1B8E;
	[sflag:s24] =	ssyncadd.s32 $0xFFFFFFFF  }
0xa7: {  	s26 =	simm.s32 $execute0_lowered;
	[smem:$0x3FD2] =	sst s25  }
0xa8: {  	s6 =	sshll.u32 s26, $0x1;
	_ =	strace $0x80000046;
	[dreg:$0x1] =	wrdreg $0xFFFFFFFF  }
0xa9: {  	s28 =	simm.s32 $_size_execute0_lowered;
	s5 =	sadd.s32 s5, s6;
	[dreg:$0x0] =	wrdreg $0x0  }
0xaa: {  	s6 =	sshll.u32 s28, $0x1;
	[dreg:$0x2] =	wrdreg s5  }
0xab: {  	[dreg:$0x3] =	wrdreg s6  }
0xac: {  	[dreg:$0x4] =	wrdreg $0xC0  }
0xad: {  	_ =	task [dreg:s9], $0x5FFFF  }
0xae: {  	[dreg:$0x1] =	wrdreg $0xFFFFFFFF  }
0xaf: {  	[dreg:$0x0] =	wrdreg $0x60  }
0xb0: {  	[dreg:$0x2] =	wrdreg s19  }
0xb1: {  	[dreg:$0x3] =	wrdreg s2  }
0xb2: {  	[dreg:$0x4] =	wrdreg s4  }
0xb3: {  	[dreg:$0x5] =	wrdreg $0x9  }
0xb4: {  	_ =	task.clear_ibuf [dreg:s9], $0x6FFFF;
	_ =	strace $0x90000046  }
0xb5: {  	s29 =	simm.s32 $0x9;
	_ =	strace $0x80000048  }
0xb6: {  	_ =	swait.ge [sflag:s29], $0x1  }
0xb7: {  	[sflag:s29] =	ssyncadd.s32 $0xFFFFFFFF  }
0xb8: {  	_ =	strace $0x90000048  }
0xb9: {  	_ =	sfence  }
0xba: {  	s30 =	sld [smem:$0x0];
	_ =	sdelay $0x2  }
0xbb: {  	s31 =	sshll.u32 s1, $0xD;
	s1 =	sshrl.u32 s1, $0x2  }
0xbc: {  	s3 =	sand.u32 $0x4000, s31;
	s1 =	sadd.s32 s1, s30  }
0xbd: {  	s0 =	sor.u32 s3, s0;
	s1 =	sshll.u32 s1, $0x11  }
0xbe: {  	s0 =	sor.u32 s1, s0  }
0xbf: {  	s0 =	sadd.s32 $0x8F2B, s0  }
0xc0: {  	[sflag:s0] =	ssyncadd.remote.s32 $0x1  }
0xc1: {  	_ =	sfence.sel $0xFFFF  }
0xc2: {  	[dreg:$0x0] =	wrdreg $0xFFFFFFFF;
	(pc) =	sbr.abs _section_cstart, $3  }
0xc3: {  	[dreg:$0x1] =	wrdreg $0xFFFFFFFF  }
0xc4: {  	_ =	task.clear_ibuf [dreg:s9], $0x2FFFF;
	_ =	strace $0x9FFFFFFF  }
0xc5: {  	(tm) =	ssettm $0x7FFFFFFF  }
tec
execute0_lowered:
.L_overlay_start_1:
0x0: {  	(tag) =	ssettag $0x1  }
0x1: {  	s1 =	rddreg [dreg:$0x0]  }
0x2: {  	s0 =	rddreg [dreg:$0x1]  }
0x3: {  	s2 =	rddreg [dreg:$0x2]  }
0x4: {  	s4 =	srdreg.scid;
	s3 =	simm.s32 $0x0;
	s9 =	stileid.u32  }
0x5: {  	s11 =	simm.s32 $0x1800;
	s12 =	simm.s32 $0xB;
	s13 =	simm.s32 $0x80  }
0x6: {  	s14 =	simm.s32 $0x1C00;
	s15 =	simm.s32 $0x5C00;
	s16 =	simm.s32 $0x1  }
0x7: {  	s17 =	simm.s32 $0x9C00;
	s18 =	simm.s32 $0x2;
	s19 =	simm.s32 $0xDC00  }
0x8: {  	s20 =	simm.s32 $0x3;
	s21 =	simm.s32 $0x11C00;
	s22 =	simm.s32 $0x4  }
0x9: {  	s23 =	simm.s32 $0x5;
	s24 =	simm.s32 $0x6;
	s28 =	simm.s32 $0x9  }
0xa: {  	s29 =	simm.s32 $0xA;
	s30 =	simm.s32 $0x0;
	s6 =	sand.u32 $0x1, s4  }
0xb: {  	s5 =	sshll.u32 s9, $0x8;
	[smem:$0x7FF] =	sst s3;
	s26 =	sshll.u32 s9, $0xC  }
0xc: {  	s4 =	ssub.s32 $0x2, s6;
	s7 =	sshll.u32 s6, $0x7;
	_ =	strace $0x80000047  }
.Ltmp0:
0xd: {  	s8 =	sshrl.u32 s4, $0x1;
	s7 =	sor.u32 s7, s5;
	(pc) =	sbr.rel .LBB2_1-.Ltmp0, $4  }
0xe: {  	s8 =	ssub.s32 s4, s8;
	s4 =	sadd.s32 s0, s7;
	s25 =	sshll.u32 s7, $0x4  }
0xf: {  	s31 =	sshll.u32 s6, $0xB;
	s5 =	sadd.s32 $0x6000, s4;
	s0 =	sadd.s32 s25, s2  }
0x10: {  	s2 =	sadd.s32 s26, s2;
	s7 =	smax.u32 s8, $0x1;
	s25 =	simm.s32 $0x7  }
0x11: {  	s26 =	simm.s32 $0x8;
	s6 =	sadd.s32 $0x310000, s0;
	s0 =	sadd.s32 s31, s2  }
.LBB2_4:
0x12: {  	_ =	swait.ge [sflag:s23], $0x4000  }
0x13: {  	[sflag:s23] =	ssyncset.done $0x0  }
0x14: {  	[sflag:s23] =	ssyncadd.s32 $0xFFFFC000  }
0x15: {  	[hbm4b:s6+s3] =	stream.linear.scatter [tilespmem:s21], [sflag:$0xA], $0x4000, $0x38;
	[tilespmem:$0x15C00] =	vst v63  }
0x16: {  	_ =	swait.ge [sflag:s24], $0x4000  }
0x17: {  	[sflag:s24] =	ssyncset.done $0x0  }
0x18: {  	[sflag:s24] =	ssyncadd.s32 $0xFFFFC000  }
0x19: {  	_ =	swait.ge [sflag:s25], $0x4000  }
0x1a: {  	[sflag:s25] =	ssyncset.done $0x0  }
0x1b: {  	[sflag:s25] =	ssyncadd.s32 $0xFFFFC000  }
0x1c: {  	_ =	swait.ge [sflag:s26], $0x4000  }
0x1d: {  	[sflag:s26] =	ssyncset.done $0x0  }
0x1e: {  	s30 =	sadd.s32 $0x1, s30;
	[sflag:s26] =	ssyncadd.s32 $0xFFFFC000  }
0x1f: {  	p0 =	sne.s32 s30, s7;
	_ =	swait.ge [sflag:s28], $0x4000  }
.Ltmp1:
0x20: {  	[sflag:s28] =	ssyncset.done $0x0;
	(pc) =	sbr.rel @!p0 .LBB2_5-.Ltmp1, $4  }
0x21: {  	[sflag:s28] =	ssyncadd.s32 $0xFFFFC000  }
0x22: {  	_ =	swait.ge [sflag:s29], $0x4000  }
0x23: {  	[sflag:s29] =	ssyncset.done $0x0  }
0x24: {  	[sflag:s29] =	ssyncadd.s32 $0xFFFFC000  }
.LBB2_1:
0x25: {  	s2 =	simm.s32 $0x400;
	s8 =	simm.s32 $0x8000  }
0x26: {  	[tilespmem:s3], [sflag:$0xB] =	stream.strided.gather [hbm4b:s4+s2], $0x1800, s8, s2, $0x38;
	[tilespmem:$0x15C00] =	vst v63  }
0x27: {  	_ = 	snop  }
0x28: {  	[tilespmem:s11], [sflag:$0xB] =	stream.linear.gather [hbm4b:s5+s3], $0x100, $0x38;
	[tilespmem:$0x15C00] =	vst v63  }
0x29: {  	_ =	swait.ge [sflag:s12], $0x1900  }
0x2a: {  	[sflag:s12] =	ssyncset.done $0x0  }
0x2b: {  	[sflag:s12] =	ssyncadd.s32 $0xFFFFE700  }
0x2c: {  	[tilespmem:s14], [sflag:$0x1] =	stream.indirect.gather [hbm4b:s1+s13], $0x80, s3, s13, $0xb8;
	[tilespmem:$0x15C00] =	vst v63  }
0x2d: {  	s31 =	simm.s32 $0xFFFFFFFD;
	s8 =	smov.u32 s0;
	s2 =	simm.s32 $0x0  }
0x2e: {  	[tilespmem:s15], [sflag:$0x2] =	stream.indirect.gather [hbm4b:s1+s13], $0x80, s13, s13, $0xb8;
	[tilespmem:$0x15C00] =	vst v63  }
.LBB2_2:
0x2f: {  	_ =	swait.ge [sflag:s16], $0x4000  }
0x30: {  	p0 =	sgt.u32 s31, $0x2C;
	[sflag:s16] =	ssyncset.done $0x0  }
0x31: {  	s10 =	simm.s32 @!p0 $0x8;
	[sflag:s16] =	ssyncadd.s32 $0xFFFFC000  }
0x32: {  	[hbm4b:s8+s3] =	stream.linear.scatter [tilespmem:s14], [sflag:$0x6], $0x4000, $0x38;
	[tilespmem:$0x15C00] =	vst v63  }
0x33: {  	_ =	swait.ge @!p0 [sflag:s10], $0x4000  }
0x34: {  	s9 =	sshra.s32 s2, $0x2;
	[sflag:s10] =	ssyncset.done @!p0 $0x0  }
0x35: {  	[sflag:s10] =	ssyncadd.s32 @!p0 $0xFFFFC000;
	s10 =	sadd.s32 $0x100, s9  }
0x36: {  	[tilespmem:s17], [sflag:$0x3] =	stream.indirect.gather [hbm4b:s1+s13], $0x80, s10, s13, $0xb8;
	[tilespmem:$0x15C00] =	vst v63  }
0x37: {  	_ =	swait.ge [sflag:s18], $0x4000  }
0x38: {  	[sflag:s18] =	ssyncset.done $0x0  }
0x39: {  	s10 =	sadd.s32 $0x10000, s8;
	[sflag:s18] =	ssyncadd.s32 $0xFFFFC000  }
0x3a: {  	[hbm4b:s10+s3] =	stream.linear.scatter [tilespmem:s15], [sflag:$0x7], $0x4000, $0x38;
	[tilespmem:$0x15C00] =	vst v63  }
0x3b: {  	s10 =	sadd.s32 $0x1, s31  }
0x3c: {  	p0 =	sgt.u32 s10, $0x2C  }
0x3d: {  	s10 =	simm.s32 @!p0 $0x9  }
0x3e: {  	_ =	swait.ge @!p0 [sflag:s10], $0x4000  }
0x3f: {  	[sflag:s10] =	ssyncset.done @!p0 $0x0  }
0x40: {  	[sflag:s10] =	ssyncadd.s32 @!p0 $0xFFFFC000;
	s10 =	sadd.s32 $0x180, s9  }
0x41: {  	[tilespmem:s19], [sflag:$0x4] =	stream.indirect.gather [hbm4b:s1+s13], $0x80, s10, s13, $0xb8;
	[tilespmem:$0x15C00] =	vst v63  }
0x42: {  	_ =	swait.ge [sflag:s20], $0x4000  }
0x43: {  	[sflag:s20] =	ssyncset.done $0x0  }
0x44: {  	s10 =	sadd.s32 $0x20000, s8;
	[sflag:s20] =	ssyncadd.s32 $0xFFFFC000  }
0x45: {  	[hbm4b:s10+s3] =	stream.linear.scatter [tilespmem:s17], [sflag:$0x8], $0x4000, $0x38;
	[tilespmem:$0x15C00] =	vst v63  }
0x46: {  	s10 =	sadd.s32 $0x2, s31  }
0x47: {  	p0 =	sgt.u32 s10, $0x2C  }
0x48: {  	s10 =	simm.s32 @!p0 $0xA  }
0x49: {  	_ =	swait.ge @!p0 [sflag:s10], $0x4000  }
0x4a: {  	[sflag:s10] =	ssyncset.done @!p0 $0x0  }
0x4b: {  	[sflag:s10] =	ssyncadd.s32 @!p0 $0xFFFFC000;
	s10 =	sadd.s32 $0x200, s9;
	p0 =	seq.s32 s2, $0x5A00  }
0x4c: {  	[tilespmem:s21], [sflag:$0x5] =	stream.indirect.gather [hbm4b:s1+s13], $0x80, s10, s13, $0xb8;
	[tilespmem:$0x15C00] =	vst v63  }
.Ltmp2:
0x4d: {  	_ = 	snop;
	(pc) =	sbr.rel @p0 .LBB2_4-.Ltmp2, $4  }
0x4e: {  	_ =	swait.ge [sflag:s22], $0x4000  }
0x4f: {  	[sflag:s22] =	ssyncset.done $0x0  }
0x50: {  	s10 =	sadd.s32 $0x30000, s8;
	[sflag:s22] =	ssyncadd.s32 $0xFFFFC000  }
0x51: {  	[hbm4b:s10+s3] =	stream.linear.scatter [tilespmem:s19], [sflag:$0x9], $0x4000, $0x38;
	[tilespmem:$0x15C00] =	vst v63  }
0x52: {  	_ =	swait.ge [sflag:s24], $0x4000  }
0x53: {  	[sflag:s24] =	ssyncset.done $0x0  }
0x54: {  	s10 =	sadd.s32 $0x280, s9;
	[sflag:s24] =	ssyncadd.s32 $0xFFFFC000  }
0x55: {  	[tilespmem:s14], [sflag:$0x1] =	stream.indirect.gather [hbm4b:s1+s13], $0x80, s10, s13, $0xb8;
	[tilespmem:$0x15C00] =	vst v63  }
0x56: {  	_ =	swait.ge [sflag:s23], $0x4000  }
0x57: {  	[sflag:s23] =	ssyncset.done $0x0  }
0x58: {  	s10 =	sadd.s32 $0x40000, s8;
	[sflag:s23] =	ssyncadd.s32 $0xFFFFC000  }
0x59: {  	[hbm4b:s10+s3] =	stream.linear.scatter [tilespmem:s21], [sflag:$0xA], $0x4000, $0x38;
	[tilespmem:$0x15C00] =	vst v63  }
.Ltmp3:
0x5a: {  	_ = 	snop;
	(pc) =	sbr.rel .LBB2_2-.Ltmp3, $4  }
0x5b: {  	_ =	swait.ge [sflag:s25], $0x4000  }
0x5c: {  	s2 =	sadd.s32 $0xA00, s2;
	s31 =	sadd.s32 $0x5, s31;
	[sflag:s25] =	ssyncset.done $0x0  }
0x5d: {  	s8 =	sadd.s32 $0x50000, s8;
	s10 =	sadd.s32 $0x300, s9;
	[sflag:s25] =	ssyncadd.s32 $0xFFFFC000  }
0x5e: {  	[tilespmem:s15], [sflag:$0x2] =	stream.indirect.gather [hbm4b:s1+s13], $0x80, s10, s13, $0xb8;
	[tilespmem:$0x15C00] =	vst v63  }
.LBB2_5:
0x5f: {  	_ =	sfence.sel $0x180000  }
0x60: {  	[bflag:$0x0] =	sbarrier.arrive $0xFFFF  }
0x61: {  	_ =	strace $0x90000047  }
0x62: {  	s0 =	stileid.u32;
	[bflag:$0x2] =	sbarrier.arrive $0xFFFF  }
0x63: {  	p0 =	sne.s32 s0, $0x0;
	s0 =	rddreg [dreg:$0x3]  }
0x64: {  	s0 =	sadd.s32 @!p0 $0x100000, s0  }
0x65: {  	[sflag:s0] =	ssyncadd.tile.s32 @!p0 $0x1;
	_ =	shalt  }
.Lfunc_end2:
_tile_overlayer_lowered:
.L_overlay_start_2:
0x66: {  	(tag) =	ssettag $0x2  }
0x67: {  	s0 =	rddreg [dreg:$0x0];
	s2 =	stileid.u32  }
0x68: {  	s1 =	rddreg [dreg:$0x1];
	p0 =	sne.s32 s2, $0x0  }
0x69: {  	s3 =	rddreg [dreg:$0x2];
	[bflag:$0x3] =	sbarrier.arrive $0xFFFF;
	s2 =	simm.s32 @!p0 $0x1C0B  }
0x6a: {  	[timem:s3], [sflag:s2] =	dma.local @!p0 [hbm:s0], s1  }
0x6b: {  	s0 =	simm.s32 @!p0 $0xB  }
0x6c: {  	_ =	swait.ge @!p0 [sflag:s0], s1  }
0x6d: {  	s1 =	ssub.s32 @!p0 $0x0, s1;
	[sflag:s0] =	ssyncset.done @!p0 $0x0  }
0x6e: {  	[sflag:s0] =	ssyncadd.s32 @!p0 s1  }
0x6f: {  	[bflag:$0x3] =	sbarrier.arrive $0xFFFF  }
0x70: {  	_ =	shalt  }

</sc_bundles>
